<compile_context>
chip_gen: v7x
topology: tpu7x:2x2x1
jax: 0.10.2.dev20260603
libtpu: 0.0.44.dev20260713+nightly
codegen_flags: <defaults>
</compile_context>

<pallas_src>
import functools

import jax
import jax.numpy as jnp
from jax import lax
from jax.experimental import pallas as pl
from jax.experimental.pallas import tpu as pltpu
from jax.experimental.pallas import tpu_sc as plsc

_N = 1000000
_BATCH = 16384
_K = 32
_L = 16
_NC, _NS = 2, 16
_NW = _NC * _NS
_BPW = _BATCH // _NW
_BLKS = _BPW // _L

_BLK = 45056
_G = -(-_N // _BLK)


def _matvec_body(wt_ref, ht_ref, wu_ref, wv_ref, au_ref, av_ref):
    wu = wu_ref[...][:, 0:1]
    wv = wv_ref[...][:, 0:1]
    au_ref[...] = jnp.sum(wt_ref[...] * wu, axis=0)
    av_ref[...] = jnp.sum(ht_ref[...] * wv, axis=0)


_matvec = pl.pallas_call(
    _matvec_body,
    grid=(_G,),
    in_specs=[
        pl.BlockSpec((_K, _BLK), lambda i: (0, i)),
        pl.BlockSpec((_K, _BLK), lambda i: (0, i)),
        pl.BlockSpec((_K, 128), lambda i: (0, 0)),
        pl.BlockSpec((_K, 128), lambda i: (0, 0)),
    ],
    out_specs=[
        pl.BlockSpec((_BLK,), lambda i: (i,)),
        pl.BlockSpec((_BLK,), lambda i: (i,)),
    ],
    out_shape=[jax.ShapeDtypeStruct((_N,), jnp.float32)] * 2,
)

_mesh = plsc.VectorSubcoreMesh(core_axis_name="c", subcore_axis_name="s")


@functools.partial(
    pl.kernel,
    mesh=_mesh,
    out_type=jax.ShapeDtypeStruct((_BATCH,), jnp.float32),
    scratch_types=[
        pltpu.VMEM((2, _BPW), jnp.int32),
        pltpu.VMEM((_BPW,), jnp.int32),
        pltpu.VMEM((_BPW,), jnp.int32),
        pltpu.VMEM((_BPW,), jnp.float32),
        pltpu.VMEM((_BPW,), jnp.float32),
        pltpu.VMEM((_L,), jnp.float32),
        pltpu.VMEM((_BPW,), jnp.float32),
        pltpu.SemaphoreType.DMA,
        pltpu.SemaphoreType.DMA,
    ],
)
def _gather_sig(xt_hbm, au_hbm, av_hbm, wb_hbm, out_hbm,
                x2_v, uidx_v, vidx_v, au_v, av_v, wb_v, out_v, sem_u, sem_v):
    wid = lax.axis_index("s") * _NC + lax.axis_index("c")
    base = pl.multiple_of(wid * _BPW, 128)
    pltpu.sync_copy(xt_hbm.at[:, pl.ds(base, _BPW)], x2_v)
    pltpu.sync_copy(wb_hbm, wb_v)
    for blk in range(_BLKS):
        sl = pl.ds(blk * _L, _L)
        uidx_v[sl] = x2_v[0, sl]
        vidx_v[sl] = x2_v[1, sl]
    cu = pltpu.async_copy(au_hbm.at[uidx_v], au_v, sem_u)
    cv = pltpu.async_copy(av_hbm.at[vidx_v], av_v, sem_v)
    cu.wait()
    cv.wait()
    bias = wb_v[...]
    for blk in range(_BLKS):
        h = au_v[pl.ds(blk * _L, _L)] + av_v[pl.ds(blk * _L, _L)] + bias
        out_v[pl.ds(blk * _L, _L)] = 1.0 / (1.0 + jnp.exp(-h))
    pltpu.sync_copy(out_v, out_hbm.at[pl.ds(base, _BPW)])


def kernel(x, W, H, lin_w, lin_b):
    wu_b = jnp.broadcast_to(lin_w[0:_K], (_K, 128))
    wv_b = jnp.broadcast_to(lin_w[_K:2 * _K], (_K, 128))
    bias16 = jnp.broadcast_to(lin_b, (_L,))
    wt, bias16 = lax.optimization_barrier((W.T, bias16))
    au, av = _matvec(wt, H.T, wu_b, wv_b)
    return _gather_sig(x.T, au, av, bias16)

# --- scband reference (transcript-rebuilt; emitter-appended) ---
"""Pipeline reference for scband-ncf-base-model-10866267259500 (READ-ONLY COPY).

The authoritative reference and input builder live on the scoring server;
editing this copy changes nothing except your own understanding.
"""

import jax, jax.numpy as jnp
import numpy as np

NUM_USERS = 1000000
NUM_ITEMS = 1000000
EMBED_K = 32
BATCH = 16384


def setup_inputs(seed: int = 0) -> dict:
    key = jax.random.key(seed)
    k1, k2, k3, k4, k5 = jax.random.split(key, 5)
    x = jax.random.randint(k1, (BATCH, 2), 0, NUM_USERS)
    W = jax.random.normal(k2, (NUM_USERS, EMBED_K), dtype=jnp.float32) * 0.01
    H = jax.random.normal(k3, (NUM_ITEMS, EMBED_K), dtype=jnp.float32) * 0.01
    lin_w = jax.random.normal(k4, (EMBED_K * 2, 1), dtype=jnp.float32) * 0.05
    lin_b = jnp.zeros((1,), dtype=jnp.float32)
    return {"x": x, "W": W, "H": H, "lin_w": lin_w, "lin_b": lin_b}


def reference(x, W, H, lin_w, lin_b):
    user_idx = x[:, 0]
    item_idx = x[:, 1]
    U_emb = jnp.take(W, user_idx, axis=0)
    V_emb = jnp.take(H, item_idx, axis=0)
    z_emb = jnp.concatenate([U_emb, V_emb], axis=1)
    h1 = jnp.squeeze(z_emb @ lin_w + lin_b, axis=-1)
    out = jax.nn.sigmoid(h1)
    return out

if __name__ == "__main__":
    import jax
    _d = setup_inputs()
    print(jax.jit(kernel)(*tuple(_d.values())))

</pallas_src>

<mosaic_0001>
#map = affine_map<(d0, d1) -> (0, 0)>
#map1 = affine_map<(d0, d1) -> (0)>
module attributes {stable_mosaic.version = 14 : i64} {
  func.func @_gather_sig(%arg0: i32, %arg1: i32, %arg2: memref<2x16384xi32, #tpu.memory_space<hbm>>, %arg3: memref<1000000xf32, #tpu.memory_space<hbm>>, %arg4: memref<1000000xf32, #tpu.memory_space<hbm>>, %arg5: memref<16xf32, #tpu.memory_space<hbm>>, %arg6: memref<16384xf32, #tpu.memory_space<hbm>>, %arg7: memref<2x512xi32, #tpu.memory_space<vmem>>, %arg8: memref<512xi32, #tpu.memory_space<vmem>>, %arg9: memref<512xi32, #tpu.memory_space<vmem>>, %arg10: memref<512xf32, #tpu.memory_space<vmem>>, %arg11: memref<512xf32, #tpu.memory_space<vmem>>, %arg12: memref<16xf32, #tpu.memory_space<vmem>>, %arg13: memref<512xf32, #tpu.memory_space<vmem>>, %arg14: memref<!tpu.dma_semaphore, #tpu.memory_space<semaphore_mem>>, %arg15: memref<!tpu.dma_semaphore, #tpu.memory_space<semaphore_mem>>) attributes {dimension_semantics = [#tpu.dimension_semantics<core_parallel>, #tpu.dimension_semantics<subcore_parallel>], iteration_bounds = array<i64: 2, 16>, scalar_prefetch = 0 : i64, scratch_operands = 9 : i64, tpu.core_type = #tpu.core_type<sc_vector_subcore>, window_params = [{transform_indices = #map}, {transform_indices = #map1}, {transform_indices = #map1}, {transform_indices = #map1}, {transform_indices = #map1}]} {
    %mul3A = arith.constant 2 : i32
    %mul3A_0 = arith.muli %arg1, %mul3A : i32
    %add3A = arith.addi %mul3A_0, %arg0 : i32
    %mul3A_1 = arith.constant 512 : i32
    %mul3A_2 = arith.muli %add3A, %mul3A_1 : i32
    %multiple_of3A = tpu.assume_multiple %mul3A_2, 128 : i32
    "tpu.region"() ({
      %run_scoped3A = tpu.sem_alloc : memref<!tpu.dma_semaphore, #tpu.memory_space<semaphore_mem>>
      %dma_start3A_1287 = arith.constant 0 : i32
      %dma_start3A_1288 = tpu.memref_slice %arg2[%dma_start3A_1287, %multiple_of3A] : memref<2x16384xi32, #tpu.memory_space<hbm>> -> memref<2x512xi32, #tpu.memory_space<hbm>>
      %dma_start3A_1289 = arith.constant 0 : i32
      %dma_start3A_1290 = tpu.memref_slice %arg2[%dma_start3A_1289, %multiple_of3A] : memref<2x16384xi32, #tpu.memory_space<hbm>> -> memref<2x512xi32, #tpu.memory_space<hbm>>
      tpu.enqueue_dma source(%dma_start3A_1290 : memref<2x512xi32, #tpu.memory_space<hbm>>) target(%arg7 : memref<2x512xi32, #tpu.memory_space<vmem>>) target_semaphore(%run_scoped3A : memref<!tpu.dma_semaphore, #tpu.memory_space<semaphore_mem>>)
      %dma_wait3A_1291 = arith.constant 0 : i32
      %dma_wait3A_1292 = tpu.memref_slice %arg2[%dma_wait3A_1291, %multiple_of3A] : memref<2x16384xi32, #tpu.memory_space<hbm>> -> memref<2x512xi32, #tpu.memory_space<hbm>>
      %dma_wait3A_1293 = arith.constant 0 : i32
      %dma_wait3A_1294 = tpu.memref_slice %arg2[%dma_wait3A_1293, %multiple_of3A] : memref<2x16384xi32, #tpu.memory_space<hbm>> -> memref<2x512xi32, #tpu.memory_space<hbm>>
      tpu.wait_dma2 semaphore(%run_scoped3A : memref<!tpu.dma_semaphore, #tpu.memory_space<semaphore_mem>>) src(%dma_wait3A_1294 : memref<2x512xi32, #tpu.memory_space<hbm>>) dst(%arg7 : memref<2x512xi32, #tpu.memory_space<vmem>>)
      tpu.yield
    }) : () -> ()
    "tpu.region"() ({
      %run_scoped3A = tpu.sem_alloc : memref<!tpu.dma_semaphore, #tpu.memory_space<semaphore_mem>>
      tpu.enqueue_dma source(%arg5 : memref<16xf32, #tpu.memory_space<hbm>>) target(%arg12 : memref<16xf32, #tpu.memory_space<vmem>>) target_semaphore(%run_scoped3A : memref<!tpu.dma_semaphore, #tpu.memory_space<semaphore_mem>>)
      tpu.wait_dma2 semaphore(%run_scoped3A : memref<!tpu.dma_semaphore, #tpu.memory_space<semaphore_mem>>) src(%arg5 : memref<16xf32, #tpu.memory_space<hbm>>) dst(%arg12 : memref<16xf32, #tpu.memory_space<vmem>>)
      tpu.yield
    }) : () -> ()
    %get3A = arith.constant 0 : i32
    %get3A_3 = arith.index_cast %get3A : i32 to index
    %get3A_4 = arith.constant 0 : index
    %get3A_5 = tpu.vector_load %arg7[%get3A_3, %get3A_4] {strides = array<i32>} : memref<2x512xi32, #tpu.memory_space<vmem>>, vector<1x16xi32>,
    %get3A_6 = vector.shape_cast %get3A_5 : vector<1x16xi32> to vector<16xi32>
    %swap3A = arith.constant 0 : index
    %swap3A_7 = tpu.vector_load %arg8[%swap3A] {strides = array<i32>} : memref<512xi32, #tpu.memory_space<vmem>>, vector<16xi32>,
    %swap3A_8 = vector.shape_cast %swap3A_7 : vector<16xi32> to vector<16xi32>
    %swap3A_9 = vector.shape_cast %get3A_6 : vector<16xi32> to vector<16xi32>
    tpu.vector_store %arg8[%swap3A], %swap3A_9 {strides = array<i32>} : memref<512xi32, #tpu.memory_space<vmem>>, vector<16xi32>,
    %get3A_10 = arith.constant 1 : i32
    %get3A_11 = arith.index_cast %get3A_10 : i32 to index
    %get3A_12 = arith.constant 0 : index
    %get3A_13 = tpu.vector_load %arg7[%get3A_11, %get3A_12] {strides = array<i32>} : memref<2x512xi32, #tpu.memory_space<vmem>>, vector<1x16xi32>,
    %get3A_14 = vector.shape_cast %get3A_13 : vector<1x16xi32> to vector<16xi32>
    %swap3A_15 = arith.constant 0 : index
    %swap3A_16 = tpu.vector_load %arg9[%swap3A_15] {strides = array<i32>} : memref<512xi32, #tpu.memory_space<vmem>>, vector<16xi32>,
    %swap3A_17 = vector.shape_cast %swap3A_16 : vector<16xi32> to vector<16xi32>
    %swap3A_18 = vector.shape_cast %get3A_14 : vector<16xi32> to vector<16xi32>
    tpu.vector_store %arg9[%swap3A_15], %swap3A_18 {strides = array<i32>} : memref<512xi32, #tpu.memory_space<vmem>>, vector<16xi32>,
    %get3A_19 = arith.constant 0 : i32
    %get3A_20 = arith.index_cast %get3A_19 : i32 to index
    %get3A_21 = arith.constant 16 : index
    %get3A_22 = tpu.vector_load %arg7[%get3A_20, %get3A_21] {strides = array<i32>} : memref<2x512xi32, #tpu.memory_space<vmem>>, vector<1x16xi32>,
    %get3A_23 = vector.shape_cast %get3A_22 : vector<1x16xi32> to vector<16xi32>
    %swap3A_24 = arith.constant 16 : index
    %swap3A_25 = tpu.vector_load %arg8[%swap3A_24] {strides = array<i32>} : memref<512xi32, #tpu.memory_space<vmem>>, vector<16xi32>,
    %swap3A_26 = vector.shape_cast %swap3A_25 : vector<16xi32> to vector<16xi32>
    %swap3A_27 = vector.shape_cast %get3A_23 : vector<16xi32> to vector<16xi32>
    tpu.vector_store %arg8[%swap3A_24], %swap3A_27 {strides = array<i32>} : memref<512xi32, #tpu.memory_space<vmem>>, vector<16xi32>,
    %get3A_28 = arith.constant 1 : i32
    %get3A_29 = arith.index_cast %get3A_28 : i32 to index
    %get3A_30 = arith.constant 16 : index
    %get3A_31 = tpu.vector_load %arg7[%get3A_29, %get3A_30] {strides = array<i32>} : memref<2x512xi32, #tpu.memory_space<vmem>>, vector<1x16xi32>,
    %get3A_32 = vector.shape_cast %get3A_31 : vector<1x16xi32> to vector<16xi32>
    %swap3A_33 = arith.constant 16 : index
    %swap3A_34 = tpu.vector_load %arg9[%swap3A_33] {strides = array<i32>} : memref<512xi32, #tpu.memory_space<vmem>>, vector<16xi32>,
    %swap3A_35 = vector.shape_cast %swap3A_34 : vector<16xi32> to vector<16xi32>
    %swap3A_36 = vector.shape_cast %get3A_32 : vector<16xi32> to vector<16xi32>
    tpu.vector_store %arg9[%swap3A_33], %swap3A_36 {strides = array<i32>} : memref<512xi32, #tpu.memory_space<vmem>>, vector<16xi32>,
    %get3A_37 = arith.constant 0 : i32
    %get3A_38 = arith.index_cast %get3A_37 : i32 to index
    %get3A_39 = arith.constant 32 : index
    %get3A_40 = tpu.vector_load %arg7[%get3A_38, %get3A_39] {strides = array<i32>} : memref<2x512xi32, #tpu.memory_space<vmem>>, vector<1x16xi32>,
    %get3A_41 = vector.shape_cast %get3A_40 : vector<1x16xi32> to vector<16xi32>
    %swap3A_42 = arith.constant 32 : index
    %swap3A_43 = tpu.vector_load %arg8[%swap3A_42] {strides = array<i32>} : memref<512xi32, #tpu.memory_space<vmem>>, vector<16xi32>,
    %swap3A_44 = vector.shape_cast %swap3A_43 : vector<16xi32> to vector<16xi32>
    %swap3A_45 = vector.shape_cast %get3A_41 : vector<16xi32> to vector<16xi32>
    tpu.vector_store %arg8[%swap3A_42], %swap3A_45 {strides = array<i32>} : memref<512xi32, #tpu.memory_space<vmem>>, vector<16xi32>,
    %get3A_46 = arith.constant 1 : i32
    %get3A_47 = arith.index_cast %get3A_46 : i32 to index
    %get3A_48 = arith.constant 32 : index
    %get3A_49 = tpu.vector_load %arg7[%get3A_47, %get3A_48] {strides = array<i32>} : memref<2x512xi32, #tpu.memory_space<vmem>>, vector<1x16xi32>,
    %get3A_50 = vector.shape_cast %get3A_49 : vector<1x16xi32> to vector<16xi32>
    %swap3A_51 = arith.constant 32 : index
    %swap3A_52 = tpu.vector_load %arg9[%swap3A_51] {strides = array<i32>} : memref<512xi32, #tpu.memory_space<vmem>>, vector<16xi32>,
    %swap3A_53 = vector.shape_cast %swap3A_52 : vector<16xi32> to vector<16xi32>
    %swap3A_54 = vector.shape_cast %get3A_50 : vector<16xi32> to vector<16xi32>
    tpu.vector_store %arg9[%swap3A_51], %swap3A_54 {strides = array<i32>} : memref<512xi32, #tpu.memory_space<vmem>>, vector<16xi32>,
    %get3A_55 = arith.constant 0 : i32
    %get3A_56 = arith.index_cast %get3A_55 : i32 to index
    %get3A_57 = arith.constant 48 : index
    %get3A_58 = tpu.vector_load %arg7[%get3A_56, %get3A_57] {strides = array<i32>} : memref<2x512xi32, #tpu.memory_space<vmem>>, vector<1x16xi32>,
    %get3A_59 = vector.shape_cast %get3A_58 : vector<1x16xi32> to vector<16xi32>
    %swap3A_60 = arith.constant 48 : index
    %swap3A_61 = tpu.vector_load %arg8[%swap3A_60] {strides = array<i32>} : memref<512xi32, #tpu.memory_space<vmem>>, vector<16xi32>,
    %swap3A_62 = vector.shape_cast %swap3A_61 : vector<16xi32> to vector<16xi32>
    %swap3A_63 = vector.shape_cast %get3A_59 : vector<16xi32> to vector<16xi32>
    tpu.vector_store %arg8[%swap3A_60], %swap3A_63 {strides = array<i32>} : memref<512xi32, #tpu.memory_space<vmem>>, vector<16xi32>,
    %get3A_64 = arith.constant 1 : i32
    %get3A_65 = arith.index_cast %get3A_64 : i32 to index
    %get3A_66 = arith.constant 48 : index
    %get3A_67 = tpu.vector_load %arg7[%get3A_65, %get3A_66] {strides = array<i32>} : memref<2x512xi32, #tpu.memory_space<vmem>>, vector<1x16xi32>,
    %get3A_68 = vector.shape_cast %get3A_67 : vector<1x16xi32> to vector<16xi32>
    %swap3A_69 = arith.constant 48 : index
    %swap3A_70 = tpu.vector_load %arg9[%swap3A_69] {strides = array<i32>} : memref<512xi32, #tpu.memory_space<vmem>>, vector<16xi32>,
    %swap3A_71 = vector.shape_cast %swap3A_70 : vector<16xi32> to vector<16xi32>
    %swap3A_72 = vector.shape_cast %get3A_68 : vector<16xi32> to vector<16xi32>
    tpu.vector_store %arg9[%swap3A_69], %swap3A_72 {strides = array<i32>} : memref<512xi32, #tpu.memory_space<vmem>>, vector<16xi32>,
    %get3A_73 = arith.constant 0 : i32
    %get3A_74 = arith.index_cast %get3A_73 : i32 to index
    %get3A_75 = arith.constant 64 : index
    %get3A_76 = tpu.vector_load %arg7[%get3A_74, %get3A_75] {strides = array<i32>} : memref<2x512xi32, #tpu.memory_space<vmem>>, vector<1x16xi32>,
    %get3A_77 = vector.shape_cast %get3A_76 : vector<1x16xi32> to vector<16xi32>
    %swap3A_78 = arith.constant 64 : index
    %swap3A_79 = tpu.vector_load %arg8[%swap3A_78] {strides = array<i32>} : memref<512xi32, #tpu.memory_space<vmem>>, vector<16xi32>,
    %swap3A_80 = vector.shape_cast %swap3A_79 : vector<16xi32> to vector<16xi32>
    %swap3A_81 = vector.shape_cast %get3A_77 : vector<16xi32> to vector<16xi32>
    tpu.vector_store %arg8[%swap3A_78], %swap3A_81 {strides = array<i32>} : memref<512xi32, #tpu.memory_space<vmem>>, vector<16xi32>,
    %get3A_82 = arith.constant 1 : i32
    %get3A_83 = arith.index_cast %get3A_82 : i32 to index
    %get3A_84 = arith.constant 64 : index
    %get3A_85 = tpu.vector_load %arg7[%get3A_83, %get3A_84] {strides = array<i32>} : memref<2x512xi32, #tpu.memory_space<vmem>>, vector<1x16xi32>,
    %get3A_86 = vector.shape_cast %get3A_85 : vector<1x16xi32> to vector<16xi32>
    %swap3A_87 = arith.constant 64 : index
    %swap3A_88 = tpu.vector_load %arg9[%swap3A_87] {strides = array<i32>} : memref<512xi32, #tpu.memory_space<vmem>>, vector<16xi32>,
    %swap3A_89 = vector.shape_cast %swap3A_88 : vector<16xi32> to vector<16xi32>
    %swap3A_90 = vector.shape_cast %get3A_86 : vector<16xi32> to vector<16xi32>
    tpu.vector_store %arg9[%swap3A_87], %swap3A_90 {strides = array<i32>} : memref<512xi32, #tpu.memory_space<vmem>>, vector<16xi32>,
    %get3A_91 = arith.constant 0 : i32
    %get3A_92 = arith.index_cast %get3A_91 : i32 to index
    %get3A_93 = arith.constant 80 : index
    %get3A_94 = tpu.vector_load %arg7[%get3A_92, %get3A_93] {strides = array<i32>} : memref<2x512xi32, #tpu.memory_space<vmem>>, vector<1x16xi32>,
    %get3A_95 = vector.shape_cast %get3A_94 : vector<1x16xi32> to vector<16xi32>
    %swap3A_96 = arith.constant 80 : index
    %swap3A_97 = tpu.vector_load %arg8[%swap3A_96] {strides = array<i32>} : memref<512xi32, #tpu.memory_space<vmem>>, vector<16xi32>,
    %swap3A_98 = vector.shape_cast %swap3A_97 : vector<16xi32> to vector<16xi32>
    %swap3A_99 = vector.shape_cast %get3A_95 : vector<16xi32> to vector<16xi32>
    tpu.vector_store %arg8[%swap3A_96], %swap3A_99 {strides = array<i32>} : memref<512xi32, #tpu.memory_space<vmem>>, vector<16xi32>,
    %get3A_100 = arith.constant 1 : i32
    %get3A_101 = arith.index_cast %get3A_100 : i32 to index
    %get3A_102 = arith.constant 80 : index
    %get3A_103 = tpu.vector_load %arg7[%get3A_101, %get3A_102] {strides = array<i32>} : memref<2x512xi32, #tpu.memory_space<vmem>>, vector<1x16xi32>,
    %get3A_104 = vector.shape_cast %get3A_103 : vector<1x16xi32> to vector<16xi32>
    %swap3A_105 = arith.constant 80 : index
    %swap3A_106 = tpu.vector_load %arg9[%swap3A_105] {strides = array<i32>} : memref<512xi32, #tpu.memory_space<vmem>>, vector<16xi32>,
    %swap3A_107 = vector.shape_cast %swap3A_106 : vector<16xi32> to vector<16xi32>
    %swap3A_108 = vector.shape_cast %get3A_104 : vector<16xi32> to vector<16xi32>
    tpu.vector_store %arg9[%swap3A_105], %swap3A_108 {strides = array<i32>} : memref<512xi32, #tpu.memory_space<vmem>>, vector<16xi32>,
    %get3A_109 = arith.constant 0 : i32
    %get3A_110 = arith.index_cast %get3A_109 : i32 to index
    %get3A_111 = arith.constant 96 : index
    %get3A_112 = tpu.vector_load %arg7[%get3A_110, %get3A_111] {strides = array<i32>} : memref<2x512xi32, #tpu.memory_space<vmem>>, vector<1x16xi32>,
    %get3A_113 = vector.shape_cast %get3A_112 : vector<1x16xi32> to vector<16xi32>
    %swap3A_114 = arith.constant 96 : index
    %swap3A_115 = tpu.vector_load %arg8[%swap3A_114] {strides = array<i32>} : memref<512xi32, #tpu.memory_space<vmem>>, vector<16xi32>,
    %swap3A_116 = vector.shape_cast %swap3A_115 : vector<16xi32> to vector<16xi32>
    %swap3A_117 = vector.shape_cast %get3A_113 : vector<16xi32> to vector<16xi32>
    tpu.vector_store %arg8[%swap3A_114], %swap3A_117 {strides = array<i32>} : memref<512xi32, #tpu.memory_space<vmem>>, vector<16xi32>,
    %get3A_118 = arith.constant 1 : i32
    %get3A_119 = arith.index_cast %get3A_118 : i32 to index
    %get3A_120 = arith.constant 96 : index
    %get3A_121 = tpu.vector_load %arg7[%get3A_119, %get3A_120] {strides = array<i32>} : memref<2x512xi32, #tpu.memory_space<vmem>>, vector<1x16xi32>,
    %get3A_122 = vector.shape_cast %get3A_121 : vector<1x16xi32> to vector<16xi32>
    %swap3A_123 = arith.constant 96 : index
    %swap3A_124 = tpu.vector_load %arg9[%swap3A_123] {strides = array<i32>} : memref<512xi32, #tpu.memory_space<vmem>>, vector<16xi32>,
    %swap3A_125 = vector.shape_cast %swap3A_124 : vector<16xi32> to vector<16xi32>
    %swap3A_126 = vector.shape_cast %get3A_122 : vector<16xi32> to vector<16xi32>
    tpu.vector_store %arg9[%swap3A_123], %swap3A_126 {strides = array<i32>} : memref<512xi32, #tpu.memory_space<vmem>>, vector<16xi32>,
    %get3A_127 = arith.constant 0 : i32
    %get3A_128 = arith.index_cast %get3A_127 : i32 to index
    %get3A_129 = arith.constant 112 : index
    %get3A_130 = tpu.vector_load %arg7[%get3A_128, %get3A_129] {strides = array<i32>} : memref<2x512xi32, #tpu.memory_space<vmem>>, vector<1x16xi32>,
    %get3A_131 = vector.shape_cast %get3A_130 : vector<1x16xi32> to vector<16xi32>
    %swap3A_132 = arith.constant 112 : index
    %swap3A_133 = tpu.vector_load %arg8[%swap3A_132] {strides = array<i32>} : memref<512xi32, #tpu.memory_space<vmem>>, vector<16xi32>,
    %swap3A_134 = vector.shape_cast %swap3A_133 : vector<16xi32> to vector<16xi32>
    %swap3A_135 = vector.shape_cast %get3A_131 : vector<16xi32> to vector<16xi32>
    tpu.vector_store %arg8[%swap3A_132], %swap3A_135 {strides = array<i32>} : memref<512xi32, #tpu.memory_space<vmem>>, vector<16xi32>,
    %get3A_136 = arith.constant 1 : i32
    %get3A_137 = arith.index_cast %get3A_136 : i32 to index
    %get3A_138 = arith.constant 112 : index
    %get3A_139 = tpu.vector_load %arg7[%get3A_137, %get3A_138] {strides = array<i32>} : memref<2x512xi32, #tpu.memory_space<vmem>>, vector<1x16xi32>,
    %get3A_140 = vector.shape_cast %get3A_139 : vector<1x16xi32> to vector<16xi32>
    %swap3A_141 = arith.constant 112 : index
    %swap3A_142 = tpu.vector_load %arg9[%swap3A_141] {strides = array<i32>} : memref<512xi32, #tpu.memory_space<vmem>>, vector<16xi32>,
    %swap3A_143 = vector.shape_cast %swap3A_142 : vector<16xi32> to vector<16xi32>
    %swap3A_144 = vector.shape_cast %get3A_140 : vector<16xi32> to vector<16xi32>
    tpu.vector_store %arg9[%swap3A_141], %swap3A_144 {strides = array<i32>} : memref<512xi32, #tpu.memory_space<vmem>>, vector<16xi32>,
    %get3A_145 = arith.constant 0 : i32
    %get3A_146 = arith.index_cast %get3A_145 : i32 to index
    %get3A_147 = arith.constant 128 : index
    %get3A_148 = tpu.vector_load %arg7[%get3A_146, %get3A_147] {strides = array<i32>} : memref<2x512xi32, #tpu.memory_space<vmem>>, vector<1x16xi32>,
    %get3A_149 = vector.shape_cast %get3A_148 : vector<1x16xi32> to vector<16xi32>
    %swap3A_150 = arith.constant 128 : index
    %swap3A_151 = tpu.vector_load %arg8[%swap3A_150] {strides = array<i32>} : memref<512xi32, #tpu.memory_space<vmem>>, vector<16xi32>,
    %swap3A_152 = vector.shape_cast %swap3A_151 : vector<16xi32> to vector<16xi32>
    %swap3A_153 = vector.shape_cast %get3A_149 : vector<16xi32> to vector<16xi32>
    tpu.vector_store %arg8[%swap3A_150], %swap3A_153 {strides = array<i32>} : memref<512xi32, #tpu.memory_space<vmem>>, vector<16xi32>,
    %get3A_154 = arith.constant 1 : i32
    %get3A_155 = arith.index_cast %get3A_154 : i32 to index
    %get3A_156 = arith.constant 128 : index
    %get3A_157 = tpu.vector_load %arg7[%get3A_155, %get3A_156] {strides = array<i32>} : memref<2x512xi32, #tpu.memory_space<vmem>>, vector<1x16xi32>,
    %get3A_158 = vector.shape_cast %get3A_157 : vector<1x16xi32> to vector<16xi32>
    %swap3A_159 = arith.constant 128 : index
    %swap3A_160 = tpu.vector_load %arg9[%swap3A_159] {strides = array<i32>} : memref<512xi32, #tpu.memory_space<vmem>>, vector<16xi32>,
    %swap3A_161 = vector.shape_cast %swap3A_160 : vector<16xi32> to vector<16xi32>
    %swap3A_162 = vector.shape_cast %get3A_158 : vector<16xi32> to vector<16xi32>
    tpu.vector_store %arg9[%swap3A_159], %swap3A_162 {strides = array<i32>} : memref<512xi32, #tpu.memory_space<vmem>>, vector<16xi32>,
    %get3A_163 = arith.constant 0 : i32
    %get3A_164 = arith.index_cast %get3A_163 : i32 to index
    %get3A_165 = arith.constant 144 : index
    %get3A_166 = tpu.vector_load %arg7[%get3A_164, %get3A_165] {strides = array<i32>} : memref<2x512xi32, #tpu.memory_space<vmem>>, vector<1x16xi32>,
    %get3A_167 = vector.shape_cast %get3A_166 : vector<1x16xi32> to vector<16xi32>
    %swap3A_168 = arith.constant 144 : index
    %swap3A_169 = tpu.vector_load %arg8[%swap3A_168] {strides = array<i32>} : memref<512xi32, #tpu.memory_space<vmem>>, vector<16xi32>,
    %swap3A_170 = vector.shape_cast %swap3A_169 : vector<16xi32> to vector<16xi32>
    %swap3A_171 = vector.shape_cast %get3A_167 : vector<16xi32> to vector<16xi32>
    tpu.vector_store %arg8[%swap3A_168], %swap3A_171 {strides = array<i32>} : memref<512xi32, #tpu.memory_space<vmem>>, vector<16xi32>,
    %get3A_172 = arith.constant 1 : i32
    %get3A_173 = arith.index_cast %get3A_172 : i32 to index
    %get3A_174 = arith.constant 144 : index
    %get3A_175 = tpu.vector_load %arg7[%get3A_173, %get3A_174] {strides = array<i32>} : memref<2x512xi32, #tpu.memory_space<vmem>>, vector<1x16xi32>,
    %get3A_176 = vector.shape_cast %get3A_175 : vector<1x16xi32> to vector<16xi32>
    %swap3A_177 = arith.constant 144 : index
    %swap3A_178 = tpu.vector_load %arg9[%swap3A_177] {strides = array<i32>} : memref<512xi32, #tpu.memory_space<vmem>>, vector<16xi32>,
    %swap3A_179 = vector.shape_cast %swap3A_178 : vector<16xi32> to vector<16xi32>
    %swap3A_180 = vector.shape_cast %get3A_176 : vector<16xi32> to vector<16xi32>
    tpu.vector_store %arg9[%swap3A_177], %swap3A_180 {strides = array<i32>} : memref<512xi32, #tpu.memory_space<vmem>>, vector<16xi32>,
    %get3A_181 = arith.constant 0 : i32
    %get3A_182 = arith.index_cast %get3A_181 : i32 to index
    %get3A_183 = arith.constant 160 : index
    %get3A_184 = tpu.vector_load %arg7[%get3A_182, %get3A_183] {strides = array<i32>} : memref<2x512xi32, #tpu.memory_space<vmem>>, vector<1x16xi32>,
    %get3A_185 = vector.shape_cast %get3A_184 : vector<1x16xi32> to vector<16xi32>
    %swap3A_186 = arith.constant 160 : index
    %swap3A_187 = tpu.vector_load %arg8[%swap3A_186] {strides = array<i32>} : memref<512xi32, #tpu.memory_space<vmem>>, vector<16xi32>,
    %swap3A_188 = vector.shape_cast %swap3A_187 : vector<16xi32> to vector<16xi32>
    %swap3A_189 = vector.shape_cast %get3A_185 : vector<16xi32> to vector<16xi32>
    tpu.vector_store %arg8[%swap3A_186], %swap3A_189 {strides = array<i32>} : memref<512xi32, #tpu.memory_space<vmem>>, vector<16xi32>,
    %get3A_190 = arith.constant 1 : i32
    %get3A_191 = arith.index_cast %get3A_190 : i32 to index
    %get3A_192 = arith.constant 160 : index
    %get3A_193 = tpu.vector_load %arg7[%get3A_191, %get3A_192] {strides = array<i32>} : memref<2x512xi32, #tpu.memory_space<vmem>>, vector<1x16xi32>,
    %get3A_194 = vector.shape_cast %get3A_193 : vector<1x16xi32> to vector<16xi32>
    %swap3A_195 = arith.constant 160 : index
    %swap3A_196 = tpu.vector_load %arg9[%swap3A_195] {strides = array<i32>} : memref<512xi32, #tpu.memory_space<vmem>>, vector<16xi32>,
    %swap3A_197 = vector.shape_cast %swap3A_196 : vector<16xi32> to vector<16xi32>
    %swap3A_198 = vector.shape_cast %get3A_194 : vector<16xi32> to vector<16xi32>
    tpu.vector_store %arg9[%swap3A_195], %swap3A_198 {strides = array<i32>} : memref<512xi32, #tpu.memory_space<vmem>>, vector<16xi32>,
    %get3A_199 = arith.constant 0 : i32
    %get3A_200 = arith.index_cast %get3A_199 : i32 to index
    %get3A_201 = arith.constant 176 : index
    %get3A_202 = tpu.vector_load %arg7[%get3A_200, %get3A_201] {strides = array<i32>} : memref<2x512xi32, #tpu.memory_space<vmem>>, vector<1x16xi32>,
    %get3A_203 = vector.shape_cast %get3A_202 : vector<1x16xi32> to vector<16xi32>
    %swap3A_204 = arith.constant 176 : index
    %swap3A_205 = tpu.vector_load %arg8[%swap3A_204] {strides = array<i32>} : memref<512xi32, #tpu.memory_space<vmem>>, vector<16xi32>,
    %swap3A_206 = vector.shape_cast %swap3A_205 : vector<16xi32> to vector<16xi32>
    %swap3A_207 = vector.shape_cast %get3A_203 : vector<16xi32> to vector<16xi32>
    tpu.vector_store %arg8[%swap3A_204], %swap3A_207 {strides = array<i32>} : memref<512xi32, #tpu.memory_space<vmem>>, vector<16xi32>,
    %get3A_208 = arith.constant 1 : i32
    %get3A_209 = arith.index_cast %get3A_208 : i32 to index
    %get3A_210 = arith.constant 176 : index
    %get3A_211 = tpu.vector_load %arg7[%get3A_209, %get3A_210] {strides = array<i32>} : memref<2x512xi32, #tpu.memory_space<vmem>>, vector<1x16xi32>,
    %get3A_212 = vector.shape_cast %get3A_211 : vector<1x16xi32> to vector<16xi32>
    %swap3A_213 = arith.constant 176 : index
    %swap3A_214 = tpu.vector_load %arg9[%swap3A_213] {strides = array<i32>} : memref<512xi32, #tpu.memory_space<vmem>>, vector<16xi32>,
    %swap3A_215 = vector.shape_cast %swap3A_214 : vector<16xi32> to vector<16xi32>
    %swap3A_216 = vector.shape_cast %get3A_212 : vector<16xi32> to vector<16xi32>
    tpu.vector_store %arg9[%swap3A_213], %swap3A_216 {strides = array<i32>} : memref<512xi32, #tpu.memory_space<vmem>>, vector<16xi32>,
    %get3A_217 = arith.constant 0 : i32
    %get3A_218 = arith.index_cast %get3A_217 : i32 to index
    %get3A_219 = arith.constant 192 : index
    %get3A_220 = tpu.vector_load %arg7[%get3A_218, %get3A_219] {strides = array<i32>} : memref<2x512xi32, #tpu.memory_space<vmem>>, vector<1x16xi32>,
    %get3A_221 = vector.shape_cast %get3A_220 : vector<1x16xi32> to vector<16xi32>
    %swap3A_222 = arith.constant 192 : index
    %swap3A_223 = tpu.vector_load %arg8[%swap3A_222] {strides = array<i32>} : memref<512xi32, #tpu.memory_space<vmem>>, vector<16xi32>,
    %swap3A_224 = vector.shape_cast %swap3A_223 : vector<16xi32> to vector<16xi32>
    %swap3A_225 = vector.shape_cast %get3A_221 : vector<16xi32> to vector<16xi32>
    tpu.vector_store %arg8[%swap3A_222], %swap3A_225 {strides = array<i32>} : memref<512xi32, #tpu.memory_space<vmem>>, vector<16xi32>,
    %get3A_226 = arith.constant 1 : i32
    %get3A_227 = arith.index_cast %get3A_226 : i32 to index
    %get3A_228 = arith.constant 192 : index
    %get3A_229 = tpu.vector_load %arg7[%get3A_227, %get3A_228] {strides = array<i32>} : memref<2x512xi32, #tpu.memory_space<vmem>>, vector<1x16xi32>,
    %get3A_230 = vector.shape_cast %get3A_229 : vector<1x16xi32> to vector<16xi32>
    %swap3A_231 = arith.constant 192 : index
    %swap3A_232 = tpu.vector_load %arg9[%swap3A_231] {strides = array<i32>} : memref<512xi32, #tpu.memory_space<vmem>>, vector<16xi32>,
    %swap3A_233 = vector.shape_cast %swap3A_232 : vector<16xi32> to vector<16xi32>
    %swap3A_234 = vector.shape_cast %get3A_230 : vector<16xi32> to vector<16xi32>
    tpu.vector_store %arg9[%swap3A_231], %swap3A_234 {strides = array<i32>} : memref<512xi32, #tpu.memory_space<vmem>>, vector<16xi32>,
    %get3A_235 = arith.constant 0 : i32
    %get3A_236 = arith.index_cast %get3A_235 : i32 to index
    %get3A_237 = arith.constant 208 : index
    %get3A_238 = tpu.vector_load %arg7[%get3A_236, %get3A_237] {strides = array<i32>} : memref<2x512xi32, #tpu.memory_space<vmem>>, vector<1x16xi32>,
    %get3A_239 = vector.shape_cast %get3A_238 : vector<1x16xi32> to vector<16xi32>
    %swap3A_240 = arith.constant 208 : index
    %swap3A_241 = tpu.vector_load %arg8[%swap3A_240] {strides = array<i32>} : memref<512xi32, #tpu.memory_space<vmem>>, vector<16xi32>,
    %swap3A_242 = vector.shape_cast %swap3A_241 : vector<16xi32> to vector<16xi32>
    %swap3A_243 = vector.shape_cast %get3A_239 : vector<16xi32> to vector<16xi32>
    tpu.vector_store %arg8[%swap3A_240], %swap3A_243 {strides = array<i32>} : memref<512xi32, #tpu.memory_space<vmem>>, vector<16xi32>,
    %get3A_244 = arith.constant 1 : i32
    %get3A_245 = arith.index_cast %get3A_244 : i32 to index
    %get3A_246 = arith.constant 208 : index
    %get3A_247 = tpu.vector_load %arg7[%get3A_245, %get3A_246] {strides = array<i32>} : memref<2x512xi32, #tpu.memory_space<vmem>>, vector<1x16xi32>,
    %get3A_248 = vector.shape_cast %get3A_247 : vector<1x16xi32> to vector<16xi32>
    %swap3A_249 = arith.constant 208 : index
    %swap3A_250 = tpu.vector_load %arg9[%swap3A_249] {strides = array<i32>} : memref<512xi32, #tpu.memory_space<vmem>>, vector<16xi32>,
    %swap3A_251 = vector.shape_cast %swap3A_250 : vector<16xi32> to vector<16xi32>
    %swap3A_252 = vector.shape_cast %get3A_248 : vector<16xi32> to vector<16xi32>
    tpu.vector_store %arg9[%swap3A_249], %swap3A_252 {strides = array<i32>} : memref<512xi32, #tpu.memory_space<vmem>>, vector<16xi32>,
    %get3A_253 = arith.constant 0 : i32
    %get3A_254 = arith.index_cast %get3A_253 : i32 to index
    %get3A_255 = arith.constant 224 : index
    %get3A_256 = tpu.vector_load %arg7[%get3A_254, %get3A_255] {strides = array<i32>} : memref<2x512xi32, #tpu.memory_space<vmem>>, vector<1x16xi32>,
    %get3A_257 = vector.shape_cast %get3A_256 : vector<1x16xi32> to vector<16xi32>
    %swap3A_258 = arith.constant 224 : index
    %swap3A_259 = tpu.vector_load %arg8[%swap3A_258] {strides = array<i32>} : memref<512xi32, #tpu.memory_space<vmem>>, vector<16xi32>,
    %swap3A_260 = vector.shape_cast %swap3A_259 : vector<16xi32> to vector<16xi32>
    %swap3A_261 = vector.shape_cast %get3A_257 : vector<16xi32> to vector<16xi32>
    tpu.vector_store %arg8[%swap3A_258], %swap3A_261 {strides = array<i32>} : memref<512xi32, #tpu.memory_space<vmem>>, vector<16xi32>,
    %get3A_262 = arith.constant 1 : i32
    %get3A_263 = arith.index_cast %get3A_262 : i32 to index
    %get3A_264 = arith.constant 224 : index
    %get3A_265 = tpu.vector_load %arg7[%get3A_263, %get3A_264] {strides = array<i32>} : memref<2x512xi32, #tpu.memory_space<vmem>>, vector<1x16xi32>,
    %get3A_266 = vector.shape_cast %get3A_265 : vector<1x16xi32> to vector<16xi32>
    %swap3A_267 = arith.constant 224 : index
    %swap3A_268 = tpu.vector_load %arg9[%swap3A_267] {strides = array<i32>} : memref<512xi32, #tpu.memory_space<vmem>>, vector<16xi32>,
    %swap3A_269 = vector.shape_cast %swap3A_268 : vector<16xi32> to vector<16xi32>
    %swap3A_270 = vector.shape_cast %get3A_266 : vector<16xi32> to vector<16xi32>
    tpu.vector_store %arg9[%swap3A_267], %swap3A_270 {strides = array<i32>} : memref<512xi32, #tpu.memory_space<vmem>>, vector<16xi32>,
    %get3A_271 = arith.constant 0 : i32
    %get3A_272 = arith.index_cast %get3A_271 : i32 to index
    %get3A_273 = arith.constant 240 : index
    %get3A_274 = tpu.vector_load %arg7[%get3A_272, %get3A_273] {strides = array<i32>} : memref<2x512xi32, #tpu.memory_space<vmem>>, vector<1x16xi32>,
    %get3A_275 = vector.shape_cast %get3A_274 : vector<1x16xi32> to vector<16xi32>
    %swap3A_276 = arith.constant 240 : index
    %swap3A_277 = tpu.vector_load %arg8[%swap3A_276] {strides = array<i32>} : memref<512xi32, #tpu.memory_space<vmem>>, vector<16xi32>,
    %swap3A_278 = vector.shape_cast %swap3A_277 : vector<16xi32> to vector<16xi32>
    %swap3A_279 = vector.shape_cast %get3A_275 : vector<16xi32> to vector<16xi32>
    tpu.vector_store %arg8[%swap3A_276], %swap3A_279 {strides = array<i32>} : memref<512xi32, #tpu.memory_space<vmem>>, vector<16xi32>,
    %get3A_280 = arith.constant 1 : i32
    %get3A_281 = arith.index_cast %get3A_280 : i32 to index
    %get3A_282 = arith.constant 240 : index
    %get3A_283 = tpu.vector_load %arg7[%get3A_281, %get3A_282] {strides = array<i32>} : memref<2x512xi32, #tpu.memory_space<vmem>>, vector<1x16xi32>,
    %get3A_284 = vector.shape_cast %get3A_283 : vector<1x16xi32> to vector<16xi32>
    %swap3A_285 = arith.constant 240 : index
    %swap3A_286 = tpu.vector_load %arg9[%swap3A_285] {strides = array<i32>} : memref<512xi32, #tpu.memory_space<vmem>>, vector<16xi32>,
    %swap3A_287 = vector.shape_cast %swap3A_286 : vector<16xi32> to vector<16xi32>
    %swap3A_288 = vector.shape_cast %get3A_284 : vector<16xi32> to vector<16xi32>
    tpu.vector_store %arg9[%swap3A_285], %swap3A_288 {strides = array<i32>} : memref<512xi32, #tpu.memory_space<vmem>>, vector<16xi32>,
    %get3A_289 = arith.constant 0 : i32
    %get3A_290 = arith.index_cast %get3A_289 : i32 to index
    %get3A_291 = arith.constant 256 : index
    %get3A_292 = tpu.vector_load %arg7[%get3A_290, %get3A_291] {strides = array<i32>} : memref<2x512xi32, #tpu.memory_space<vmem>>, vector<1x16xi32>,
    %get3A_293 = vector.shape_cast %get3A_292 : vector<1x16xi32> to vector<16xi32>
    %swap3A_294 = arith.constant 256 : index
    %swap3A_295 = tpu.vector_load %arg8[%swap3A_294] {strides = array<i32>} : memref<512xi32, #tpu.memory_space<vmem>>, vector<16xi32>,
    %swap3A_296 = vector.shape_cast %swap3A_295 : vector<16xi32> to vector<16xi32>
    %swap3A_297 = vector.shape_cast %get3A_293 : vector<16xi32> to vector<16xi32>
    tpu.vector_store %arg8[%swap3A_294], %swap3A_297 {strides = array<i32>} : memref<512xi32, #tpu.memory_space<vmem>>, vector<16xi32>,
    %get3A_298 = arith.constant 1 : i32
    %get3A_299 = arith.index_cast %get3A_298 : i32 to index
    %get3A_300 = arith.constant 256 : index
    %get3A_301 = tpu.vector_load %arg7[%get3A_299, %get3A_300] {strides = array<i32>} : memref<2x512xi32, #tpu.memory_space<vmem>>, vector<1x16xi32>,
    %get3A_302 = vector.shape_cast %get3A_301 : vector<1x16xi32> to vector<16xi32>
    %swap3A_303 = arith.constant 256 : index
    %swap3A_304 = tpu.vector_load %arg9[%swap3A_303] {strides = array<i32>} : memref<512xi32, #tpu.memory_space<vmem>>, vector<16xi32>,
    %swap3A_305 = vector.shape_cast %swap3A_304 : vector<16xi32> to vector<16xi32>
    %swap3A_306 = vector.shape_cast %get3A_302 : vector<16xi32> to vector<16xi32>
    tpu.vector_store %arg9[%swap3A_303], %swap3A_306 {strides = array<i32>} : memref<512xi32, #tpu.memory_space<vmem>>, vector<16xi32>,
    %get3A_307 = arith.constant 0 : i32
    %get3A_308 = arith.index_cast %get3A_307 : i32 to index
    %get3A_309 = arith.constant 272 : index
    %get3A_310 = tpu.vector_load %arg7[%get3A_308, %get3A_309] {strides = array<i32>} : memref<2x512xi32, #tpu.memory_space<vmem>>, vector<1x16xi32>,
    %get3A_311 = vector.shape_cast %get3A_310 : vector<1x16xi32> to vector<16xi32>
    %swap3A_312 = arith.constant 272 : index
    %swap3A_313 = tpu.vector_load %arg8[%swap3A_312] {strides = array<i32>} : memref<512xi32, #tpu.memory_space<vmem>>, vector<16xi32>,
    %swap3A_314 = vector.shape_cast %swap3A_313 : vector<16xi32> to vector<16xi32>
    %swap3A_315 = vector.shape_cast %get3A_311 : vector<16xi32> to vector<16xi32>
    tpu.vector_store %arg8[%swap3A_312], %swap3A_315 {strides = array<i32>} : memref<512xi32, #tpu.memory_space<vmem>>, vector<16xi32>,
    %get3A_316 = arith.constant 1 : i32
    %get3A_317 = arith.index_cast %get3A_316 : i32 to index
    %get3A_318 = arith.constant 272 : index
    %get3A_319 = tpu.vector_load %arg7[%get3A_317, %get3A_318] {strides = array<i32>} : memref<2x512xi32, #tpu.memory_space<vmem>>, vector<1x16xi32>,
    %get3A_320 = vector.shape_cast %get3A_319 : vector<1x16xi32> to vector<16xi32>
    %swap3A_321 = arith.constant 272 : index
    %swap3A_322 = tpu.vector_load %arg9[%swap3A_321] {strides = array<i32>} : memref<512xi32, #tpu.memory_space<vmem>>, vector<16xi32>,
    %swap3A_323 = vector.shape_cast %swap3A_322 : vector<16xi32> to vector<16xi32>
    %swap3A_324 = vector.shape_cast %get3A_320 : vector<16xi32> to vector<16xi32>
    tpu.vector_store %arg9[%swap3A_321], %swap3A_324 {strides = array<i32>} : memref<512xi32, #tpu.memory_space<vmem>>, vector<16xi32>,
    %get3A_325 = arith.constant 0 : i32
    %get3A_326 = arith.index_cast %get3A_325 : i32 to index
    %get3A_327 = arith.constant 288 : index
    %get3A_328 = tpu.vector_load %arg7[%get3A_326, %get3A_327] {strides = array<i32>} : memref<2x512xi32, #tpu.memory_space<vmem>>, vector<1x16xi32>,
    %get3A_329 = vector.shape_cast %get3A_328 : vector<1x16xi32> to vector<16xi32>
    %swap3A_330 = arith.constant 288 : index
    %swap3A_331 = tpu.vector_load %arg8[%swap3A_330] {strides = array<i32>} : memref<512xi32, #tpu.memory_space<vmem>>, vector<16xi32>,
    %swap3A_332 = vector.shape_cast %swap3A_331 : vector<16xi32> to vector<16xi32>
    %swap3A_333 = vector.shape_cast %get3A_329 : vector<16xi32> to vector<16xi32>
    tpu.vector_store %arg8[%swap3A_330], %swap3A_333 {strides = array<i32>} : memref<512xi32, #tpu.memory_space<vmem>>, vector<16xi32>,
    %get3A_334 = arith.constant 1 : i32
    %get3A_335 = arith.index_cast %get3A_334 : i32 to index
    %get3A_336 = arith.constant 288 : index
    %get3A_337 = tpu.vector_load %arg7[%get3A_335, %get3A_336] {strides = array<i32>} : memref<2x512xi32, #tpu.memory_space<vmem>>, vector<1x16xi32>,
    %get3A_338 = vector.shape_cast %get3A_337 : vector<1x16xi32> to vector<16xi32>
    %swap3A_339 = arith.constant 288 : index
    %swap3A_340 = tpu.vector_load %arg9[%swap3A_339] {strides = array<i32>} : memref<512xi32, #tpu.memory_space<vmem>>, vector<16xi32>,
    %swap3A_341 = vector.shape_cast %swap3A_340 : vector<16xi32> to vector<16xi32>
    %swap3A_342 = vector.shape_cast %get3A_338 : vector<16xi32> to vector<16xi32>
    tpu.vector_store %arg9[%swap3A_339], %swap3A_342 {strides = array<i32>} : memref<512xi32, #tpu.memory_space<vmem>>, vector<16xi32>,
    %get3A_343 = arith.constant 0 : i32
    %get3A_344 = arith.index_cast %get3A_343 : i32 to index
    %get3A_345 = arith.constant 304 : index
    %get3A_346 = tpu.vector_load %arg7[%get3A_344, %get3A_345] {strides = array<i32>} : memref<2x512xi32, #tpu.memory_space<vmem>>, vector<1x16xi32>,
    %get3A_347 = vector.shape_cast %get3A_346 : vector<1x16xi32> to vector<16xi32>
    %swap3A_348 = arith.constant 304 : index
    %swap3A_349 = tpu.vector_load %arg8[%swap3A_348] {strides = array<i32>} : memref<512xi32, #tpu.memory_space<vmem>>, vector<16xi32>,
    %swap3A_350 = vector.shape_cast %swap3A_349 : vector<16xi32> to vector<16xi32>
    %swap3A_351 = vector.shape_cast %get3A_347 : vector<16xi32> to vector<16xi32>
    tpu.vector_store %arg8[%swap3A_348], %swap3A_351 {strides = array<i32>} : memref<512xi32, #tpu.memory_space<vmem>>, vector<16xi32>,
    %get3A_352 = arith.constant 1 : i32
    %get3A_353 = arith.index_cast %get3A_352 : i32 to index
    %get3A_354 = arith.constant 304 : index
    %get3A_355 = tpu.vector_load %arg7[%get3A_353, %get3A_354] {strides = array<i32>} : memref<2x512xi32, #tpu.memory_space<vmem>>, vector<1x16xi32>,
    %get3A_356 = vector.shape_cast %get3A_355 : vector<1x16xi32> to vector<16xi32>
    %swap3A_357 = arith.constant 304 : index
    %swap3A_358 = tpu.vector_load %arg9[%swap3A_357] {strides = array<i32>} : memref<512xi32, #tpu.memory_space<vmem>>, vector<16xi32>,
    %swap3A_359 = vector.shape_cast %swap3A_358 : vector<16xi32> to vector<16xi32>
    %swap3A_360 = vector.shape_cast %get3A_356 : vector<16xi32> to vector<16xi32>
    tpu.vector_store %arg9[%swap3A_357], %swap3A_360 {strides = array<i32>} : memref<512xi32, #tpu.memory_space<vmem>>, vector<16xi32>,
    %get3A_361 = arith.constant 0 : i32
    %get3A_362 = arith.index_cast %get3A_361 : i32 to index
    %get3A_363 = arith.constant 320 : index
    %get3A_364 = tpu.vector_load %arg7[%get3A_362, %get3A_363] {strides = array<i32>} : memref<2x512xi32, #tpu.memory_space<vmem>>, vector<1x16xi32>,
    %get3A_365 = vector.shape_cast %get3A_364 : vector<1x16xi32> to vector<16xi32>
    %swap3A_366 = arith.constant 320 : index
    %swap3A_367 = tpu.vector_load %arg8[%swap3A_366] {strides = array<i32>} : memref<512xi32, #tpu.memory_space<vmem>>, vector<16xi32>,
    %swap3A_368 = vector.shape_cast %swap3A_367 : vector<16xi32> to vector<16xi32>
    %swap3A_369 = vector.shape_cast %get3A_365 : vector<16xi32> to vector<16xi32>
    tpu.vector_store %arg8[%swap3A_366], %swap3A_369 {strides = array<i32>} : memref<512xi32, #tpu.memory_space<vmem>>, vector<16xi32>,
    %get3A_370 = arith.constant 1 : i32
    %get3A_371 = arith.index_cast %get3A_370 : i32 to index
    %get3A_372 = arith.constant 320 : index
    %get3A_373 = tpu.vector_load %arg7[%get3A_371, %get3A_372] {strides = array<i32>} : memref<2x512xi32, #tpu.memory_space<vmem>>, vector<1x16xi32>,
    %get3A_374 = vector.shape_cast %get3A_373 : vector<1x16xi32> to vector<16xi32>
    %swap3A_375 = arith.constant 320 : index
    %swap3A_376 = tpu.vector_load %arg9[%swap3A_375] {strides = array<i32>} : memref<512xi32, #tpu.memory_space<vmem>>, vector<16xi32>,
    %swap3A_377 = vector.shape_cast %swap3A_376 : vector<16xi32> to vector<16xi32>
    %swap3A_378 = vector.shape_cast %get3A_374 : vector<16xi32> to vector<16xi32>
    tpu.vector_store %arg9[%swap3A_375], %swap3A_378 {strides = array<i32>} : memref<512xi32, #tpu.memory_space<vmem>>, vector<16xi32>,
    %get3A_379 = arith.constant 0 : i32
    %get3A_380 = arith.index_cast %get3A_379 : i32 to index
    %get3A_381 = arith.constant 336 : index
    %get3A_382 = tpu.vector_load %arg7[%get3A_380, %get3A_381] {strides = array<i32>} : memref<2x512xi32, #tpu.memory_space<vmem>>, vector<1x16xi32>,
    %get3A_383 = vector.shape_cast %get3A_382 : vector<1x16xi32> to vector<16xi32>
    %swap3A_384 = arith.constant 336 : index
    %swap3A_385 = tpu.vector_load %arg8[%swap3A_384] {strides = array<i32>} : memref<512xi32, #tpu.memory_space<vmem>>, vector<16xi32>,
    %swap3A_386 = vector.shape_cast %swap3A_385 : vector<16xi32> to vector<16xi32>
    %swap3A_387 = vector.shape_cast %get3A_383 : vector<16xi32> to vector<16xi32>
    tpu.vector_store %arg8[%swap3A_384], %swap3A_387 {strides = array<i32>} : memref<512xi32, #tpu.memory_space<vmem>>, vector<16xi32>,
    %get3A_388 = arith.constant 1 : i32
    %get3A_389 = arith.index_cast %get3A_388 : i32 to index
    %get3A_390 = arith.constant 336 : index
    %get3A_391 = tpu.vector_load %arg7[%get3A_389, %get3A_390] {strides = array<i32>} : memref<2x512xi32, #tpu.memory_space<vmem>>, vector<1x16xi32>,
    %get3A_392 = vector.shape_cast %get3A_391 : vector<1x16xi32> to vector<16xi32>
    %swap3A_393 = arith.constant 336 : index
    %swap3A_394 = tpu.vector_load %arg9[%swap3A_393] {strides = array<i32>} : memref<512xi32, #tpu.memory_space<vmem>>, vector<16xi32>,
    %swap3A_395 = vector.shape_cast %swap3A_394 : vector<16xi32> to vector<16xi32>
    %swap3A_396 = vector.shape_cast %get3A_392 : vector<16xi32> to vector<16xi32>
    tpu.vector_store %arg9[%swap3A_393], %swap3A_396 {strides = array<i32>} : memref<512xi32, #tpu.memory_space<vmem>>, vector<16xi32>,
    %get3A_397 = arith.constant 0 : i32
    %get3A_398 = arith.index_cast %get3A_397 : i32 to index
    %get3A_399 = arith.constant 352 : index
    %get3A_400 = tpu.vector_load %arg7[%get3A_398, %get3A_399] {strides = array<i32>} : memref<2x512xi32, #tpu.memory_space<vmem>>, vector<1x16xi32>,
    %get3A_401 = vector.shape_cast %get3A_400 : vector<1x16xi32> to vector<16xi32>
    %swap3A_402 = arith.constant 352 : index
    %swap3A_403 = tpu.vector_load %arg8[%swap3A_402] {strides = array<i32>} : memref<512xi32, #tpu.memory_space<vmem>>, vector<16xi32>,
    %swap3A_404 = vector.shape_cast %swap3A_403 : vector<16xi32> to vector<16xi32>
    %swap3A_405 = vector.shape_cast %get3A_401 : vector<16xi32> to vector<16xi32>
    tpu.vector_store %arg8[%swap3A_402], %swap3A_405 {strides = array<i32>} : memref<512xi32, #tpu.memory_space<vmem>>, vector<16xi32>,
    %get3A_406 = arith.constant 1 : i32
    %get3A_407 = arith.index_cast %get3A_406 : i32 to index
    %get3A_408 = arith.constant 352 : index
    %get3A_409 = tpu.vector_load %arg7[%get3A_407, %get3A_408] {strides = array<i32>} : memref<2x512xi32, #tpu.memory_space<vmem>>, vector<1x16xi32>,
    %get3A_410 = vector.shape_cast %get3A_409 : vector<1x16xi32> to vector<16xi32>
    %swap3A_411 = arith.constant 352 : index
    %swap3A_412 = tpu.vector_load %arg9[%swap3A_411] {strides = array<i32>} : memref<512xi32, #tpu.memory_space<vmem>>, vector<16xi32>,
    %swap3A_413 = vector.shape_cast %swap3A_412 : vector<16xi32> to vector<16xi32>
    %swap3A_414 = vector.shape_cast %get3A_410 : vector<16xi32> to vector<16xi32>
    tpu.vector_store %arg9[%swap3A_411], %swap3A_414 {strides = array<i32>} : memref<512xi32, #tpu.memory_space<vmem>>, vector<16xi32>,
    %get3A_415 = arith.constant 0 : i32
    %get3A_416 = arith.index_cast %get3A_415 : i32 to index
    %get3A_417 = arith.constant 368 : index
    %get3A_418 = tpu.vector_load %arg7[%get3A_416, %get3A_417] {strides = array<i32>} : memref<2x512xi32, #tpu.memory_space<vmem>>, vector<1x16xi32>,
    %get3A_419 = vector.shape_cast %get3A_418 : vector<1x16xi32> to vector<16xi32>
    %swap3A_420 = arith.constant 368 : index
    %swap3A_421 = tpu.vector_load %arg8[%swap3A_420] {strides = array<i32>} : memref<512xi32, #tpu.memory_space<vmem>>, vector<16xi32>,
    %swap3A_422 = vector.shape_cast %swap3A_421 : vector<16xi32> to vector<16xi32>
    %swap3A_423 = vector.shape_cast %get3A_419 : vector<16xi32> to vector<16xi32>
    tpu.vector_store %arg8[%swap3A_420], %swap3A_423 {strides = array<i32>} : memref<512xi32, #tpu.memory_space<vmem>>, vector<16xi32>,
    %get3A_424 = arith.constant 1 : i32
    %get3A_425 = arith.index_cast %get3A_424 : i32 to index
    %get3A_426 = arith.constant 368 : index
    %get3A_427 = tpu.vector_load %arg7[%get3A_425, %get3A_426] {strides = array<i32>} : memref<2x512xi32, #tpu.memory_space<vmem>>, vector<1x16xi32>,
    %get3A_428 = vector.shape_cast %get3A_427 : vector<1x16xi32> to vector<16xi32>
    %swap3A_429 = arith.constant 368 : index
    %swap3A_430 = tpu.vector_load %arg9[%swap3A_429] {strides = array<i32>} : memref<512xi32, #tpu.memory_space<vmem>>, vector<16xi32>,
    %swap3A_431 = vector.shape_cast %swap3A_430 : vector<16xi32> to vector<16xi32>
    %swap3A_432 = vector.shape_cast %get3A_428 : vector<16xi32> to vector<16xi32>
    tpu.vector_store %arg9[%swap3A_429], %swap3A_432 {strides = array<i32>} : memref<512xi32, #tpu.memory_space<vmem>>, vector<16xi32>,
    %get3A_433 = arith.constant 0 : i32
    %get3A_434 = arith.index_cast %get3A_433 : i32 to index
    %get3A_435 = arith.constant 384 : index
    %get3A_436 = tpu.vector_load %arg7[%get3A_434, %get3A_435] {strides = array<i32>} : memref<2x512xi32, #tpu.memory_space<vmem>>, vector<1x16xi32>,
    %get3A_437 = vector.shape_cast %get3A_436 : vector<1x16xi32> to vector<16xi32>
    %swap3A_438 = arith.constant 384 : index
    %swap3A_439 = tpu.vector_load %arg8[%swap3A_438] {strides = array<i32>} : memref<512xi32, #tpu.memory_space<vmem>>, vector<16xi32>,
    %swap3A_440 = vector.shape_cast %swap3A_439 : vector<16xi32> to vector<16xi32>
    %swap3A_441 = vector.shape_cast %get3A_437 : vector<16xi32> to vector<16xi32>
    tpu.vector_store %arg8[%swap3A_438], %swap3A_441 {strides = array<i32>} : memref<512xi32, #tpu.memory_space<vmem>>, vector<16xi32>,
    %get3A_442 = arith.constant 1 : i32
    %get3A_443 = arith.index_cast %get3A_442 : i32 to index
    %get3A_444 = arith.constant 384 : index
    %get3A_445 = tpu.vector_load %arg7[%get3A_443, %get3A_444] {strides = array<i32>} : memref<2x512xi32, #tpu.memory_space<vmem>>, vector<1x16xi32>,
    %get3A_446 = vector.shape_cast %get3A_445 : vector<1x16xi32> to vector<16xi32>
    %swap3A_447 = arith.constant 384 : index
    %swap3A_448 = tpu.vector_load %arg9[%swap3A_447] {strides = array<i32>} : memref<512xi32, #tpu.memory_space<vmem>>, vector<16xi32>,
    %swap3A_449 = vector.shape_cast %swap3A_448 : vector<16xi32> to vector<16xi32>
    %swap3A_450 = vector.shape_cast %get3A_446 : vector<16xi32> to vector<16xi32>
    tpu.vector_store %arg9[%swap3A_447], %swap3A_450 {strides = array<i32>} : memref<512xi32, #tpu.memory_space<vmem>>, vector<16xi32>,
    %get3A_451 = arith.constant 0 : i32
    %get3A_452 = arith.index_cast %get3A_451 : i32 to index
    %get3A_453 = arith.constant 400 : index
    %get3A_454 = tpu.vector_load %arg7[%get3A_452, %get3A_453] {strides = array<i32>} : memref<2x512xi32, #tpu.memory_space<vmem>>, vector<1x16xi32>,
    %get3A_455 = vector.shape_cast %get3A_454 : vector<1x16xi32> to vector<16xi32>
    %swap3A_456 = arith.constant 400 : index
    %swap3A_457 = tpu.vector_load %arg8[%swap3A_456] {strides = array<i32>} : memref<512xi32, #tpu.memory_space<vmem>>, vector<16xi32>,
    %swap3A_458 = vector.shape_cast %swap3A_457 : vector<16xi32> to vector<16xi32>
    %swap3A_459 = vector.shape_cast %get3A_455 : vector<16xi32> to vector<16xi32>
    tpu.vector_store %arg8[%swap3A_456], %swap3A_459 {strides = array<i32>} : memref<512xi32, #tpu.memory_space<vmem>>, vector<16xi32>,
    %get3A_460 = arith.constant 1 : i32
    %get3A_461 = arith.index_cast %get3A_460 : i32 to index
    %get3A_462 = arith.constant 400 : index
    %get3A_463 = tpu.vector_load %arg7[%get3A_461, %get3A_462] {strides = array<i32>} : memref<2x512xi32, #tpu.memory_space<vmem>>, vector<1x16xi32>,
    %get3A_464 = vector.shape_cast %get3A_463 : vector<1x16xi32> to vector<16xi32>
    %swap3A_465 = arith.constant 400 : index
    %swap3A_466 = tpu.vector_load %arg9[%swap3A_465] {strides = array<i32>} : memref<512xi32, #tpu.memory_space<vmem>>, vector<16xi32>,
    %swap3A_467 = vector.shape_cast %swap3A_466 : vector<16xi32> to vector<16xi32>
    %swap3A_468 = vector.shape_cast %get3A_464 : vector<16xi32> to vector<16xi32>
    tpu.vector_store %arg9[%swap3A_465], %swap3A_468 {strides = array<i32>} : memref<512xi32, #tpu.memory_space<vmem>>, vector<16xi32>,
    %get3A_469 = arith.constant 0 : i32
    %get3A_470 = arith.index_cast %get3A_469 : i32 to index
    %get3A_471 = arith.constant 416 : index
    %get3A_472 = tpu.vector_load %arg7[%get3A_470, %get3A_471] {strides = array<i32>} : memref<2x512xi32, #tpu.memory_space<vmem>>, vector<1x16xi32>,
    %get3A_473 = vector.shape_cast %get3A_472 : vector<1x16xi32> to vector<16xi32>
    %swap3A_474 = arith.constant 416 : index
    %swap3A_475 = tpu.vector_load %arg8[%swap3A_474] {strides = array<i32>} : memref<512xi32, #tpu.memory_space<vmem>>, vector<16xi32>,
    %swap3A_476 = vector.shape_cast %swap3A_475 : vector<16xi32> to vector<16xi32>
    %swap3A_477 = vector.shape_cast %get3A_473 : vector<16xi32> to vector<16xi32>
    tpu.vector_store %arg8[%swap3A_474], %swap3A_477 {strides = array<i32>} : memref<512xi32, #tpu.memory_space<vmem>>, vector<16xi32>,
    %get3A_478 = arith.constant 1 : i32
    %get3A_479 = arith.index_cast %get3A_478 : i32 to index
    %get3A_480 = arith.constant 416 : index
    %get3A_481 = tpu.vector_load %arg7[%get3A_479, %get3A_480] {strides = array<i32>} : memref<2x512xi32, #tpu.memory_space<vmem>>, vector<1x16xi32>,
    %get3A_482 = vector.shape_cast %get3A_481 : vector<1x16xi32> to vector<16xi32>
    %swap3A_483 = arith.constant 416 : index
    %swap3A_484 = tpu.vector_load %arg9[%swap3A_483] {strides = array<i32>} : memref<512xi32, #tpu.memory_space<vmem>>, vector<16xi32>,
    %swap3A_485 = vector.shape_cast %swap3A_484 : vector<16xi32> to vector<16xi32>
    %swap3A_486 = vector.shape_cast %get3A_482 : vector<16xi32> to vector<16xi32>
    tpu.vector_store %arg9[%swap3A_483], %swap3A_486 {strides = array<i32>} : memref<512xi32, #tpu.memory_space<vmem>>, vector<16xi32>,
    %get3A_487 = arith.constant 0 : i32
    %get3A_488 = arith.index_cast %get3A_487 : i32 to index
    %get3A_489 = arith.constant 432 : index
    %get3A_490 = tpu.vector_load %arg7[%get3A_488, %get3A_489] {strides = array<i32>} : memref<2x512xi32, #tpu.memory_space<vmem>>, vector<1x16xi32>,
    %get3A_491 = vector.shape_cast %get3A_490 : vector<1x16xi32> to vector<16xi32>
    %swap3A_492 = arith.constant 432 : index
    %swap3A_493 = tpu.vector_load %arg8[%swap3A_492] {strides = array<i32>} : memref<512xi32, #tpu.memory_space<vmem>>, vector<16xi32>,
    %swap3A_494 = vector.shape_cast %swap3A_493 : vector<16xi32> to vector<16xi32>
    %swap3A_495 = vector.shape_cast %get3A_491 : vector<16xi32> to vector<16xi32>
    tpu.vector_store %arg8[%swap3A_492], %swap3A_495 {strides = array<i32>} : memref<512xi32, #tpu.memory_space<vmem>>, vector<16xi32>,
    %get3A_496 = arith.constant 1 : i32
    %get3A_497 = arith.index_cast %get3A_496 : i32 to index
    %get3A_498 = arith.constant 432 : index
    %get3A_499 = tpu.vector_load %arg7[%get3A_497, %get3A_498] {strides = array<i32>} : memref<2x512xi32, #tpu.memory_space<vmem>>, vector<1x16xi32>,
    %get3A_500 = vector.shape_cast %get3A_499 : vector<1x16xi32> to vector<16xi32>
    %swap3A_501 = arith.constant 432 : index
    %swap3A_502 = tpu.vector_load %arg9[%swap3A_501] {strides = array<i32>} : memref<512xi32, #tpu.memory_space<vmem>>, vector<16xi32>,
    %swap3A_503 = vector.shape_cast %swap3A_502 : vector<16xi32> to vector<16xi32>
    %swap3A_504 = vector.shape_cast %get3A_500 : vector<16xi32> to vector<16xi32>
    tpu.vector_store %arg9[%swap3A_501], %swap3A_504 {strides = array<i32>} : memref<512xi32, #tpu.memory_space<vmem>>, vector<16xi32>,
    %get3A_505 = arith.constant 0 : i32
    %get3A_506 = arith.index_cast %get3A_505 : i32 to index
    %get3A_507 = arith.constant 448 : index
    %get3A_508 = tpu.vector_load %arg7[%get3A_506, %get3A_507] {strides = array<i32>} : memref<2x512xi32, #tpu.memory_space<vmem>>, vector<1x16xi32>,
    %get3A_509 = vector.shape_cast %get3A_508 : vector<1x16xi32> to vector<16xi32>
    %swap3A_510 = arith.constant 448 : index
    %swap3A_511 = tpu.vector_load %arg8[%swap3A_510] {strides = array<i32>} : memref<512xi32, #tpu.memory_space<vmem>>, vector<16xi32>,
    %swap3A_512 = vector.shape_cast %swap3A_511 : vector<16xi32> to vector<16xi32>
    %swap3A_513 = vector.shape_cast %get3A_509 : vector<16xi32> to vector<16xi32>
    tpu.vector_store %arg8[%swap3A_510], %swap3A_513 {strides = array<i32>} : memref<512xi32, #tpu.memory_space<vmem>>, vector<16xi32>,
    %get3A_514 = arith.constant 1 : i32
    %get3A_515 = arith.index_cast %get3A_514 : i32 to index
    %get3A_516 = arith.constant 448 : index
    %get3A_517 = tpu.vector_load %arg7[%get3A_515, %get3A_516] {strides = array<i32>} : memref<2x512xi32, #tpu.memory_space<vmem>>, vector<1x16xi32>,
    %get3A_518 = vector.shape_cast %get3A_517 : vector<1x16xi32> to vector<16xi32>
    %swap3A_519 = arith.constant 448 : index
    %swap3A_520 = tpu.vector_load %arg9[%swap3A_519] {strides = array<i32>} : memref<512xi32, #tpu.memory_space<vmem>>, vector<16xi32>,
    %swap3A_521 = vector.shape_cast %swap3A_520 : vector<16xi32> to vector<16xi32>
    %swap3A_522 = vector.shape_cast %get3A_518 : vector<16xi32> to vector<16xi32>
    tpu.vector_store %arg9[%swap3A_519], %swap3A_522 {strides = array<i32>} : memref<512xi32, #tpu.memory_space<vmem>>, vector<16xi32>,
    %get3A_523 = arith.constant 0 : i32
    %get3A_524 = arith.index_cast %get3A_523 : i32 to index
    %get3A_525 = arith.constant 464 : index
    %get3A_526 = tpu.vector_load %arg7[%get3A_524, %get3A_525] {strides = array<i32>} : memref<2x512xi32, #tpu.memory_space<vmem>>, vector<1x16xi32>,
    %get3A_527 = vector.shape_cast %get3A_526 : vector<1x16xi32> to vector<16xi32>
    %swap3A_528 = arith.constant 464 : index
    %swap3A_529 = tpu.vector_load %arg8[%swap3A_528] {strides = array<i32>} : memref<512xi32, #tpu.memory_space<vmem>>, vector<16xi32>,
    %swap3A_530 = vector.shape_cast %swap3A_529 : vector<16xi32> to vector<16xi32>
    %swap3A_531 = vector.shape_cast %get3A_527 : vector<16xi32> to vector<16xi32>
    tpu.vector_store %arg8[%swap3A_528], %swap3A_531 {strides = array<i32>} : memref<512xi32, #tpu.memory_space<vmem>>, vector<16xi32>,
    %get3A_532 = arith.constant 1 : i32
    %get3A_533 = arith.index_cast %get3A_532 : i32 to index
    %get3A_534 = arith.constant 464 : index
    %get3A_535 = tpu.vector_load %arg7[%get3A_533, %get3A_534] {strides = array<i32>} : memref<2x512xi32, #tpu.memory_space<vmem>>, vector<1x16xi32>,
    %get3A_536 = vector.shape_cast %get3A_535 : vector<1x16xi32> to vector<16xi32>
    %swap3A_537 = arith.constant 464 : index
    %swap3A_538 = tpu.vector_load %arg9[%swap3A_537] {strides = array<i32>} : memref<512xi32, #tpu.memory_space<vmem>>, vector<16xi32>,
    %swap3A_539 = vector.shape_cast %swap3A_538 : vector<16xi32> to vector<16xi32>
    %swap3A_540 = vector.shape_cast %get3A_536 : vector<16xi32> to vector<16xi32>
    tpu.vector_store %arg9[%swap3A_537], %swap3A_540 {strides = array<i32>} : memref<512xi32, #tpu.memory_space<vmem>>, vector<16xi32>,
    %get3A_541 = arith.constant 0 : i32
    %get3A_542 = arith.index_cast %get3A_541 : i32 to index
    %get3A_543 = arith.constant 480 : index
    %get3A_544 = tpu.vector_load %arg7[%get3A_542, %get3A_543] {strides = array<i32>} : memref<2x512xi32, #tpu.memory_space<vmem>>, vector<1x16xi32>,
    %get3A_545 = vector.shape_cast %get3A_544 : vector<1x16xi32> to vector<16xi32>
    %swap3A_546 = arith.constant 480 : index
    %swap3A_547 = tpu.vector_load %arg8[%swap3A_546] {strides = array<i32>} : memref<512xi32, #tpu.memory_space<vmem>>, vector<16xi32>,
    %swap3A_548 = vector.shape_cast %swap3A_547 : vector<16xi32> to vector<16xi32>
    %swap3A_549 = vector.shape_cast %get3A_545 : vector<16xi32> to vector<16xi32>
    tpu.vector_store %arg8[%swap3A_546], %swap3A_549 {strides = array<i32>} : memref<512xi32, #tpu.memory_space<vmem>>, vector<16xi32>,
    %get3A_550 = arith.constant 1 : i32
    %get3A_551 = arith.index_cast %get3A_550 : i32 to index
    %get3A_552 = arith.constant 480 : index
    %get3A_553 = tpu.vector_load %arg7[%get3A_551, %get3A_552] {strides = array<i32>} : memref<2x512xi32, #tpu.memory_space<vmem>>, vector<1x16xi32>,
    %get3A_554 = vector.shape_cast %get3A_553 : vector<1x16xi32> to vector<16xi32>
    %swap3A_555 = arith.constant 480 : index
    %swap3A_556 = tpu.vector_load %arg9[%swap3A_555] {strides = array<i32>} : memref<512xi32, #tpu.memory_space<vmem>>, vector<16xi32>,
    %swap3A_557 = vector.shape_cast %swap3A_556 : vector<16xi32> to vector<16xi32>
    %swap3A_558 = vector.shape_cast %get3A_554 : vector<16xi32> to vector<16xi32>
    tpu.vector_store %arg9[%swap3A_555], %swap3A_558 {strides = array<i32>} : memref<512xi32, #tpu.memory_space<vmem>>, vector<16xi32>,
    %get3A_559 = arith.constant 0 : i32
    %get3A_560 = arith.index_cast %get3A_559 : i32 to index
    %get3A_561 = arith.constant 496 : index
    %get3A_562 = tpu.vector_load %arg7[%get3A_560, %get3A_561] {strides = array<i32>} : memref<2x512xi32, #tpu.memory_space<vmem>>, vector<1x16xi32>,
    %get3A_563 = vector.shape_cast %get3A_562 : vector<1x16xi32> to vector<16xi32>
    %swap3A_564 = arith.constant 496 : index
    %swap3A_565 = tpu.vector_load %arg8[%swap3A_564] {strides = array<i32>} : memref<512xi32, #tpu.memory_space<vmem>>, vector<16xi32>,
    %swap3A_566 = vector.shape_cast %swap3A_565 : vector<16xi32> to vector<16xi32>
    %swap3A_567 = vector.shape_cast %get3A_563 : vector<16xi32> to vector<16xi32>
    tpu.vector_store %arg8[%swap3A_564], %swap3A_567 {strides = array<i32>} : memref<512xi32, #tpu.memory_space<vmem>>, vector<16xi32>,
    %get3A_568 = arith.constant 1 : i32
    %get3A_569 = arith.index_cast %get3A_568 : i32 to index
    %get3A_570 = arith.constant 496 : index
    %get3A_571 = tpu.vector_load %arg7[%get3A_569, %get3A_570] {strides = array<i32>} : memref<2x512xi32, #tpu.memory_space<vmem>>, vector<1x16xi32>,
    %get3A_572 = vector.shape_cast %get3A_571 : vector<1x16xi32> to vector<16xi32>
    %swap3A_573 = arith.constant 496 : index
    %swap3A_574 = tpu.vector_load %arg9[%swap3A_573] {strides = array<i32>} : memref<512xi32, #tpu.memory_space<vmem>>, vector<16xi32>,
    %swap3A_575 = vector.shape_cast %swap3A_574 : vector<16xi32> to vector<16xi32>
    %swap3A_576 = vector.shape_cast %get3A_572 : vector<16xi32> to vector<16xi32>
    tpu.vector_store %arg9[%swap3A_573], %swap3A_576 {strides = array<i32>} : memref<512xi32, #tpu.memory_space<vmem>>, vector<16xi32>,
    %dma_start3A = arith.constant 0 : i32
    %dma_start3A_577 = tpu.memref_slice %arg3[%dma_start3A] : memref<1000000xf32, #tpu.memory_space<hbm>> -> memref<1000000xf32, #tpu.memory_space<hbm>>
    tpu.enqueue_indirect_dma source(%dma_start3A_577 : memref<1000000xf32, #tpu.memory_space<hbm>>) target(%arg10 : memref<512xf32, #tpu.memory_space<vmem>>) offsets(%arg8 : memref<512xi32, #tpu.memory_space<vmem>>) semaphore(%arg14 : memref<!tpu.dma_semaphore, #tpu.memory_space<semaphore_mem>>)
    %dma_start3A_578 = arith.constant 0 : i32
    %dma_start3A_579 = tpu.memref_slice %arg4[%dma_start3A_578] : memref<1000000xf32, #tpu.memory_space<hbm>> -> memref<1000000xf32, #tpu.memory_space<hbm>>
    tpu.enqueue_indirect_dma source(%dma_start3A_579 : memref<1000000xf32, #tpu.memory_space<hbm>>) target(%arg11 : memref<512xf32, #tpu.memory_space<vmem>>) offsets(%arg9 : memref<512xi32, #tpu.memory_space<vmem>>) semaphore(%arg15 : memref<!tpu.dma_semaphore, #tpu.memory_space<semaphore_mem>>)
    %dma_wait3A = arith.constant 0 : i32
    %dma_wait3A_580 = tpu.memref_slice %arg3[%dma_wait3A] : memref<1000000xf32, #tpu.memory_space<hbm>> -> memref<1000000xf32, #tpu.memory_space<hbm>>
    tpu.wait_indirect_dma semaphore(%arg14 : memref<!tpu.dma_semaphore, #tpu.memory_space<semaphore_mem>>) src(%dma_wait3A_580 : memref<1000000xf32, #tpu.memory_space<hbm>>) dst(%arg10 : memref<512xf32, #tpu.memory_space<vmem>>)
    %dma_wait3A_581 = arith.constant 0 : i32
    %dma_wait3A_582 = tpu.memref_slice %arg4[%dma_wait3A_581] : memref<1000000xf32, #tpu.memory_space<hbm>> -> memref<1000000xf32, #tpu.memory_space<hbm>>
    tpu.wait_indirect_dma semaphore(%arg15 : memref<!tpu.dma_semaphore, #tpu.memory_space<semaphore_mem>>) src(%dma_wait3A_582 : memref<1000000xf32, #tpu.memory_space<hbm>>) dst(%arg11 : memref<512xf32, #tpu.memory_space<vmem>>)
    %get3A_583 = arith.constant 0 : index
    %get3A_584 = tpu.vector_load %arg12[%get3A_583] {strides = array<i32>} : memref<16xf32, #tpu.memory_space<vmem>>, vector<16xf32>,
    %get3A_585 = vector.shape_cast %get3A_584 : vector<16xf32> to vector<16xf32>
    %get3A_586 = arith.constant 0 : index
    %get3A_587 = tpu.vector_load %arg10[%get3A_586] {strides = array<i32>} : memref<512xf32, #tpu.memory_space<vmem>>, vector<16xf32>,
    %get3A_588 = vector.shape_cast %get3A_587 : vector<16xf32> to vector<16xf32>
    %get3A_589 = arith.constant 0 : index
    %get3A_590 = tpu.vector_load %arg11[%get3A_589] {strides = array<i32>} : memref<512xf32, #tpu.memory_space<vmem>>, vector<16xf32>,
    %get3A_591 = vector.shape_cast %get3A_590 : vector<16xf32> to vector<16xf32>
    %add3A_592 = arith.addf %get3A_588, %get3A_591 : vector<16xf32>
    %add3A_593 = arith.addf %add3A_592, %get3A_585 : vector<16xf32>
    %neg3A = arith.constant 0.000000e+00 : f32
    %neg3A_594 = vector.broadcast %neg3A : f32 to vector<16xf32>
    %neg3A_595 = arith.subf %neg3A_594, %add3A_593 : vector<16xf32>
    %exp3A = math.exp %neg3A_595 : vector<16xf32>
    %add3A_596 = arith.constant 1.000000e+00 : f32
    %add3A_597 = vector.broadcast %add3A_596 : f32 to vector<16xf32>
    %add3A_598 = arith.addf %add3A_597, %exp3A : vector<16xf32>
    %div3A = arith.constant 1.000000e+00 : f32
    %div3A_599 = vector.broadcast %div3A : f32 to vector<16xf32>
    %div3A_600 = arith.divf %div3A_599, %add3A_598 : vector<16xf32>
    %swap3A_601 = arith.constant 0 : index
    %swap3A_602 = tpu.vector_load %arg13[%swap3A_601] {strides = array<i32>} : memref<512xf32, #tpu.memory_space<vmem>>, vector<16xf32>,
    %swap3A_603 = vector.shape_cast %swap3A_602 : vector<16xf32> to vector<16xf32>
    %swap3A_604 = vector.shape_cast %div3A_600 : vector<16xf32> to vector<16xf32>
    tpu.vector_store %arg13[%swap3A_601], %swap3A_604 {strides = array<i32>} : memref<512xf32, #tpu.memory_space<vmem>>, vector<16xf32>,
    %get3A_605 = arith.constant 16 : index
    %get3A_606 = tpu.vector_load %arg10[%get3A_605] {strides = array<i32>} : memref<512xf32, #tpu.memory_space<vmem>>, vector<16xf32>,
    %get3A_607 = vector.shape_cast %get3A_606 : vector<16xf32> to vector<16xf32>
    %get3A_608 = arith.constant 16 : index
    %get3A_609 = tpu.vector_load %arg11[%get3A_608] {strides = array<i32>} : memref<512xf32, #tpu.memory_space<vmem>>, vector<16xf32>,
    %get3A_610 = vector.shape_cast %get3A_609 : vector<16xf32> to vector<16xf32>
    %add3A_611 = arith.addf %get3A_607, %get3A_610 : vector<16xf32>
    %add3A_612 = arith.addf %add3A_611, %get3A_585 : vector<16xf32>
    %neg3A_613 = arith.constant 0.000000e+00 : f32
    %neg3A_614 = vector.broadcast %neg3A_613 : f32 to vector<16xf32>
    %neg3A_615 = arith.subf %neg3A_614, %add3A_612 : vector<16xf32>
    %exp3A_616 = math.exp %neg3A_615 : vector<16xf32>
    %add3A_617 = arith.constant 1.000000e+00 : f32
    %add3A_618 = vector.broadcast %add3A_617 : f32 to vector<16xf32>
    %add3A_619 = arith.addf %add3A_618, %exp3A_616 : vector<16xf32>
    %div3A_620 = arith.constant 1.000000e+00 : f32
    %div3A_621 = vector.broadcast %div3A_620 : f32 to vector<16xf32>
    %div3A_622 = arith.divf %div3A_621, %add3A_619 : vector<16xf32>
    %swap3A_623 = arith.constant 16 : index
    %swap3A_624 = tpu.vector_load %arg13[%swap3A_623] {strides = array<i32>} : memref<512xf32, #tpu.memory_space<vmem>>, vector<16xf32>,
    %swap3A_625 = vector.shape_cast %swap3A_624 : vector<16xf32> to vector<16xf32>
    %swap3A_626 = vector.shape_cast %div3A_622 : vector<16xf32> to vector<16xf32>
    tpu.vector_store %arg13[%swap3A_623], %swap3A_626 {strides = array<i32>} : memref<512xf32, #tpu.memory_space<vmem>>, vector<16xf32>,
    %get3A_627 = arith.constant 32 : index
    %get3A_628 = tpu.vector_load %arg10[%get3A_627] {strides = array<i32>} : memref<512xf32, #tpu.memory_space<vmem>>, vector<16xf32>,
    %get3A_629 = vector.shape_cast %get3A_628 : vector<16xf32> to vector<16xf32>
    %get3A_630 = arith.constant 32 : index
    %get3A_631 = tpu.vector_load %arg11[%get3A_630] {strides = array<i32>} : memref<512xf32, #tpu.memory_space<vmem>>, vector<16xf32>,
    %get3A_632 = vector.shape_cast %get3A_631 : vector<16xf32> to vector<16xf32>
    %add3A_633 = arith.addf %get3A_629, %get3A_632 : vector<16xf32>
    %add3A_634 = arith.addf %add3A_633, %get3A_585 : vector<16xf32>
    %neg3A_635 = arith.constant 0.000000e+00 : f32
    %neg3A_636 = vector.broadcast %neg3A_635 : f32 to vector<16xf32>
    %neg3A_637 = arith.subf %neg3A_636, %add3A_634 : vector<16xf32>
    %exp3A_638 = math.exp %neg3A_637 : vector<16xf32>
    %add3A_639 = arith.constant 1.000000e+00 : f32
    %add3A_640 = vector.broadcast %add3A_639 : f32 to vector<16xf32>
    %add3A_641 = arith.addf %add3A_640, %exp3A_638 : vector<16xf32>
    %div3A_642 = arith.constant 1.000000e+00 : f32
    %div3A_643 = vector.broadcast %div3A_642 : f32 to vector<16xf32>
    %div3A_644 = arith.divf %div3A_643, %add3A_641 : vector<16xf32>
    %swap3A_645 = arith.constant 32 : index
    %swap3A_646 = tpu.vector_load %arg13[%swap3A_645] {strides = array<i32>} : memref<512xf32, #tpu.memory_space<vmem>>, vector<16xf32>,
    %swap3A_647 = vector.shape_cast %swap3A_646 : vector<16xf32> to vector<16xf32>
    %swap3A_648 = vector.shape_cast %div3A_644 : vector<16xf32> to vector<16xf32>
    tpu.vector_store %arg13[%swap3A_645], %swap3A_648 {strides = array<i32>} : memref<512xf32, #tpu.memory_space<vmem>>, vector<16xf32>,
    %get3A_649 = arith.constant 48 : index
    %get3A_650 = tpu.vector_load %arg10[%get3A_649] {strides = array<i32>} : memref<512xf32, #tpu.memory_space<vmem>>, vector<16xf32>,
    %get3A_651 = vector.shape_cast %get3A_650 : vector<16xf32> to vector<16xf32>
    %get3A_652 = arith.constant 48 : index
    %get3A_653 = tpu.vector_load %arg11[%get3A_652] {strides = array<i32>} : memref<512xf32, #tpu.memory_space<vmem>>, vector<16xf32>,
    %get3A_654 = vector.shape_cast %get3A_653 : vector<16xf32> to vector<16xf32>
    %add3A_655 = arith.addf %get3A_651, %get3A_654 : vector<16xf32>
    %add3A_656 = arith.addf %add3A_655, %get3A_585 : vector<16xf32>
    %neg3A_657 = arith.constant 0.000000e+00 : f32
    %neg3A_658 = vector.broadcast %neg3A_657 : f32 to vector<16xf32>
    %neg3A_659 = arith.subf %neg3A_658, %add3A_656 : vector<16xf32>
    %exp3A_660 = math.exp %neg3A_659 : vector<16xf32>
    %add3A_661 = arith.constant 1.000000e+00 : f32
    %add3A_662 = vector.broadcast %add3A_661 : f32 to vector<16xf32>
    %add3A_663 = arith.addf %add3A_662, %exp3A_660 : vector<16xf32>
    %div3A_664 = arith.constant 1.000000e+00 : f32
    %div3A_665 = vector.broadcast %div3A_664 : f32 to vector<16xf32>
    %div3A_666 = arith.divf %div3A_665, %add3A_663 : vector<16xf32>
    %swap3A_667 = arith.constant 48 : index
    %swap3A_668 = tpu.vector_load %arg13[%swap3A_667] {strides = array<i32>} : memref<512xf32, #tpu.memory_space<vmem>>, vector<16xf32>,
    %swap3A_669 = vector.shape_cast %swap3A_668 : vector<16xf32> to vector<16xf32>
    %swap3A_670 = vector.shape_cast %div3A_666 : vector<16xf32> to vector<16xf32>
    tpu.vector_store %arg13[%swap3A_667], %swap3A_670 {strides = array<i32>} : memref<512xf32, #tpu.memory_space<vmem>>, vector<16xf32>,
    %get3A_671 = arith.constant 64 : index
    %get3A_672 = tpu.vector_load %arg10[%get3A_671] {strides = array<i32>} : memref<512xf32, #tpu.memory_space<vmem>>, vector<16xf32>,
    %get3A_673 = vector.shape_cast %get3A_672 : vector<16xf32> to vector<16xf32>
    %get3A_674 = arith.constant 64 : index
    %get3A_675 = tpu.vector_load %arg11[%get3A_674] {strides = array<i32>} : memref<512xf32, #tpu.memory_space<vmem>>, vector<16xf32>,
    %get3A_676 = vector.shape_cast %get3A_675 : vector<16xf32> to vector<16xf32>
    %add3A_677 = arith.addf %get3A_673, %get3A_676 : vector<16xf32>
    %add3A_678 = arith.addf %add3A_677, %get3A_585 : vector<16xf32>
    %neg3A_679 = arith.constant 0.000000e+00 : f32
    %neg3A_680 = vector.broadcast %neg3A_679 : f32 to vector<16xf32>
    %neg3A_681 = arith.subf %neg3A_680, %add3A_678 : vector<16xf32>
    %exp3A_682 = math.exp %neg3A_681 : vector<16xf32>
    %add3A_683 = arith.constant 1.000000e+00 : f32
    %add3A_684 = vector.broadcast %add3A_683 : f32 to vector<16xf32>
    %add3A_685 = arith.addf %add3A_684, %exp3A_682 : vector<16xf32>
    %div3A_686 = arith.constant 1.000000e+00 : f32
    %div3A_687 = vector.broadcast %div3A_686 : f32 to vector<16xf32>
    %div3A_688 = arith.divf %div3A_687, %add3A_685 : vector<16xf32>
    %swap3A_689 = arith.constant 64 : index
    %swap3A_690 = tpu.vector_load %arg13[%swap3A_689] {strides = array<i32>} : memref<512xf32, #tpu.memory_space<vmem>>, vector<16xf32>,
    %swap3A_691 = vector.shape_cast %swap3A_690 : vector<16xf32> to vector<16xf32>
    %swap3A_692 = vector.shape_cast %div3A_688 : vector<16xf32> to vector<16xf32>
    tpu.vector_store %arg13[%swap3A_689], %swap3A_692 {strides = array<i32>} : memref<512xf32, #tpu.memory_space<vmem>>, vector<16xf32>,
    %get3A_693 = arith.constant 80 : index
    %get3A_694 = tpu.vector_load %arg10[%get3A_693] {strides = array<i32>} : memref<512xf32, #tpu.memory_space<vmem>>, vector<16xf32>,
    %get3A_695 = vector.shape_cast %get3A_694 : vector<16xf32> to vector<16xf32>
    %get3A_696 = arith.constant 80 : index
    %get3A_697 = tpu.vector_load %arg11[%get3A_696] {strides = array<i32>} : memref<512xf32, #tpu.memory_space<vmem>>, vector<16xf32>,
    %get3A_698 = vector.shape_cast %get3A_697 : vector<16xf32> to vector<16xf32>
    %add3A_699 = arith.addf %get3A_695, %get3A_698 : vector<16xf32>
    %add3A_700 = arith.addf %add3A_699, %get3A_585 : vector<16xf32>
    %neg3A_701 = arith.constant 0.000000e+00 : f32
    %neg3A_702 = vector.broadcast %neg3A_701 : f32 to vector<16xf32>
    %neg3A_703 = arith.subf %neg3A_702, %add3A_700 : vector<16xf32>
    %exp3A_704 = math.exp %neg3A_703 : vector<16xf32>
    %add3A_705 = arith.constant 1.000000e+00 : f32
    %add3A_706 = vector.broadcast %add3A_705 : f32 to vector<16xf32>
    %add3A_707 = arith.addf %add3A_706, %exp3A_704 : vector<16xf32>
    %div3A_708 = arith.constant 1.000000e+00 : f32
    %div3A_709 = vector.broadcast %div3A_708 : f32 to vector<16xf32>
    %div3A_710 = arith.divf %div3A_709, %add3A_707 : vector<16xf32>
    %swap3A_711 = arith.constant 80 : index
    %swap3A_712 = tpu.vector_load %arg13[%swap3A_711] {strides = array<i32>} : memref<512xf32, #tpu.memory_space<vmem>>, vector<16xf32>,
    %swap3A_713 = vector.shape_cast %swap3A_712 : vector<16xf32> to vector<16xf32>
    %swap3A_714 = vector.shape_cast %div3A_710 : vector<16xf32> to vector<16xf32>
    tpu.vector_store %arg13[%swap3A_711], %swap3A_714 {strides = array<i32>} : memref<512xf32, #tpu.memory_space<vmem>>, vector<16xf32>,
    %get3A_715 = arith.constant 96 : index
    %get3A_716 = tpu.vector_load %arg10[%get3A_715] {strides = array<i32>} : memref<512xf32, #tpu.memory_space<vmem>>, vector<16xf32>,
    %get3A_717 = vector.shape_cast %get3A_716 : vector<16xf32> to vector<16xf32>
    %get3A_718 = arith.constant 96 : index
    %get3A_719 = tpu.vector_load %arg11[%get3A_718] {strides = array<i32>} : memref<512xf32, #tpu.memory_space<vmem>>, vector<16xf32>,
    %get3A_720 = vector.shape_cast %get3A_719 : vector<16xf32> to vector<16xf32>
    %add3A_721 = arith.addf %get3A_717, %get3A_720 : vector<16xf32>
    %add3A_722 = arith.addf %add3A_721, %get3A_585 : vector<16xf32>
    %neg3A_723 = arith.constant 0.000000e+00 : f32
    %neg3A_724 = vector.broadcast %neg3A_723 : f32 to vector<16xf32>
    %neg3A_725 = arith.subf %neg3A_724, %add3A_722 : vector<16xf32>
    %exp3A_726 = math.exp %neg3A_725 : vector<16xf32>
    %add3A_727 = arith.constant 1.000000e+00 : f32
    %add3A_728 = vector.broadcast %add3A_727 : f32 to vector<16xf32>
    %add3A_729 = arith.addf %add3A_728, %exp3A_726 : vector<16xf32>
    %div3A_730 = arith.constant 1.000000e+00 : f32
    %div3A_731 = vector.broadcast %div3A_730 : f32 to vector<16xf32>
    %div3A_732 = arith.divf %div3A_731, %add3A_729 : vector<16xf32>
    %swap3A_733 = arith.constant 96 : index
    %swap3A_734 = tpu.vector_load %arg13[%swap3A_733] {strides = array<i32>} : memref<512xf32, #tpu.memory_space<vmem>>, vector<16xf32>,
    %swap3A_735 = vector.shape_cast %swap3A_734 : vector<16xf32> to vector<16xf32>
    %swap3A_736 = vector.shape_cast %div3A_732 : vector<16xf32> to vector<16xf32>
    tpu.vector_store %arg13[%swap3A_733], %swap3A_736 {strides = array<i32>} : memref<512xf32, #tpu.memory_space<vmem>>, vector<16xf32>,
    %get3A_737 = arith.constant 112 : index
    %get3A_738 = tpu.vector_load %arg10[%get3A_737] {strides = array<i32>} : memref<512xf32, #tpu.memory_space<vmem>>, vector<16xf32>,
    %get3A_739 = vector.shape_cast %get3A_738 : vector<16xf32> to vector<16xf32>
    %get3A_740 = arith.constant 112 : index
    %get3A_741 = tpu.vector_load %arg11[%get3A_740] {strides = array<i32>} : memref<512xf32, #tpu.memory_space<vmem>>, vector<16xf32>,
    %get3A_742 = vector.shape_cast %get3A_741 : vector<16xf32> to vector<16xf32>
    %add3A_743 = arith.addf %get3A_739, %get3A_742 : vector<16xf32>
    %add3A_744 = arith.addf %add3A_743, %get3A_585 : vector<16xf32>
    %neg3A_745 = arith.constant 0.000000e+00 : f32
    %neg3A_746 = vector.broadcast %neg3A_745 : f32 to vector<16xf32>
    %neg3A_747 = arith.subf %neg3A_746, %add3A_744 : vector<16xf32>
    %exp3A_748 = math.exp %neg3A_747 : vector<16xf32>
    %add3A_749 = arith.constant 1.000000e+00 : f32
    %add3A_750 = vector.broadcast %add3A_749 : f32 to vector<16xf32>
    %add3A_751 = arith.addf %add3A_750, %exp3A_748 : vector<16xf32>
    %div3A_752 = arith.constant 1.000000e+00 : f32
    %div3A_753 = vector.broadcast %div3A_752 : f32 to vector<16xf32>
    %div3A_754 = arith.divf %div3A_753, %add3A_751 : vector<16xf32>
    %swap3A_755 = arith.constant 112 : index
    %swap3A_756 = tpu.vector_load %arg13[%swap3A_755] {strides = array<i32>} : memref<512xf32, #tpu.memory_space<vmem>>, vector<16xf32>,
    %swap3A_757 = vector.shape_cast %swap3A_756 : vector<16xf32> to vector<16xf32>
    %swap3A_758 = vector.shape_cast %div3A_754 : vector<16xf32> to vector<16xf32>
    tpu.vector_store %arg13[%swap3A_755], %swap3A_758 {strides = array<i32>} : memref<512xf32, #tpu.memory_space<vmem>>, vector<16xf32>,
    %get3A_759 = arith.constant 128 : index
    %get3A_760 = tpu.vector_load %arg10[%get3A_759] {strides = array<i32>} : memref<512xf32, #tpu.memory_space<vmem>>, vector<16xf32>,
    %get3A_761 = vector.shape_cast %get3A_760 : vector<16xf32> to vector<16xf32>
    %get3A_762 = arith.constant 128 : index
    %get3A_763 = tpu.vector_load %arg11[%get3A_762] {strides = array<i32>} : memref<512xf32, #tpu.memory_space<vmem>>, vector<16xf32>,
    %get3A_764 = vector.shape_cast %get3A_763 : vector<16xf32> to vector<16xf32>
    %add3A_765 = arith.addf %get3A_761, %get3A_764 : vector<16xf32>
    %add3A_766 = arith.addf %add3A_765, %get3A_585 : vector<16xf32>
    %neg3A_767 = arith.constant 0.000000e+00 : f32
    %neg3A_768 = vector.broadcast %neg3A_767 : f32 to vector<16xf32>
    %neg3A_769 = arith.subf %neg3A_768, %add3A_766 : vector<16xf32>
    %exp3A_770 = math.exp %neg3A_769 : vector<16xf32>
    %add3A_771 = arith.constant 1.000000e+00 : f32
    %add3A_772 = vector.broadcast %add3A_771 : f32 to vector<16xf32>
    %add3A_773 = arith.addf %add3A_772, %exp3A_770 : vector<16xf32>
    %div3A_774 = arith.constant 1.000000e+00 : f32
    %div3A_775 = vector.broadcast %div3A_774 : f32 to vector<16xf32>
    %div3A_776 = arith.divf %div3A_775, %add3A_773 : vector<16xf32>
    %swap3A_777 = arith.constant 128 : index
    %swap3A_778 = tpu.vector_load %arg13[%swap3A_777] {strides = array<i32>} : memref<512xf32, #tpu.memory_space<vmem>>, vector<16xf32>,
    %swap3A_779 = vector.shape_cast %swap3A_778 : vector<16xf32> to vector<16xf32>
    %swap3A_780 = vector.shape_cast %div3A_776 : vector<16xf32> to vector<16xf32>
    tpu.vector_store %arg13[%swap3A_777], %swap3A_780 {strides = array<i32>} : memref<512xf32, #tpu.memory_space<vmem>>, vector<16xf32>,
    %get3A_781 = arith.constant 144 : index
    %get3A_782 = tpu.vector_load %arg10[%get3A_781] {strides = array<i32>} : memref<512xf32, #tpu.memory_space<vmem>>, vector<16xf32>,
    %get3A_783 = vector.shape_cast %get3A_782 : vector<16xf32> to vector<16xf32>
    %get3A_784 = arith.constant 144 : index
    %get3A_785 = tpu.vector_load %arg11[%get3A_784] {strides = array<i32>} : memref<512xf32, #tpu.memory_space<vmem>>, vector<16xf32>,
    %get3A_786 = vector.shape_cast %get3A_785 : vector<16xf32> to vector<16xf32>
    %add3A_787 = arith.addf %get3A_783, %get3A_786 : vector<16xf32>
    %add3A_788 = arith.addf %add3A_787, %get3A_585 : vector<16xf32>
    %neg3A_789 = arith.constant 0.000000e+00 : f32
    %neg3A_790 = vector.broadcast %neg3A_789 : f32 to vector<16xf32>
    %neg3A_791 = arith.subf %neg3A_790, %add3A_788 : vector<16xf32>
    %exp3A_792 = math.exp %neg3A_791 : vector<16xf32>
    %add3A_793 = arith.constant 1.000000e+00 : f32
    %add3A_794 = vector.broadcast %add3A_793 : f32 to vector<16xf32>
    %add3A_795 = arith.addf %add3A_794, %exp3A_792 : vector<16xf32>
    %div3A_796 = arith.constant 1.000000e+00 : f32
    %div3A_797 = vector.broadcast %div3A_796 : f32 to vector<16xf32>
    %div3A_798 = arith.divf %div3A_797, %add3A_795 : vector<16xf32>
    %swap3A_799 = arith.constant 144 : index
    %swap3A_800 = tpu.vector_load %arg13[%swap3A_799] {strides = array<i32>} : memref<512xf32, #tpu.memory_space<vmem>>, vector<16xf32>,
    %swap3A_801 = vector.shape_cast %swap3A_800 : vector<16xf32> to vector<16xf32>
    %swap3A_802 = vector.shape_cast %div3A_798 : vector<16xf32> to vector<16xf32>
    tpu.vector_store %arg13[%swap3A_799], %swap3A_802 {strides = array<i32>} : memref<512xf32, #tpu.memory_space<vmem>>, vector<16xf32>,
    %get3A_803 = arith.constant 160 : index
    %get3A_804 = tpu.vector_load %arg10[%get3A_803] {strides = array<i32>} : memref<512xf32, #tpu.memory_space<vmem>>, vector<16xf32>,
    %get3A_805 = vector.shape_cast %get3A_804 : vector<16xf32> to vector<16xf32>
    %get3A_806 = arith.constant 160 : index
    %get3A_807 = tpu.vector_load %arg11[%get3A_806] {strides = array<i32>} : memref<512xf32, #tpu.memory_space<vmem>>, vector<16xf32>,
    %get3A_808 = vector.shape_cast %get3A_807 : vector<16xf32> to vector<16xf32>
    %add3A_809 = arith.addf %get3A_805, %get3A_808 : vector<16xf32>
    %add3A_810 = arith.addf %add3A_809, %get3A_585 : vector<16xf32>
    %neg3A_811 = arith.constant 0.000000e+00 : f32
    %neg3A_812 = vector.broadcast %neg3A_811 : f32 to vector<16xf32>
    %neg3A_813 = arith.subf %neg3A_812, %add3A_810 : vector<16xf32>
    %exp3A_814 = math.exp %neg3A_813 : vector<16xf32>
    %add3A_815 = arith.constant 1.000000e+00 : f32
    %add3A_816 = vector.broadcast %add3A_815 : f32 to vector<16xf32>
    %add3A_817 = arith.addf %add3A_816, %exp3A_814 : vector<16xf32>
    %div3A_818 = arith.constant 1.000000e+00 : f32
    %div3A_819 = vector.broadcast %div3A_818 : f32 to vector<16xf32>
    %div3A_820 = arith.divf %div3A_819, %add3A_817 : vector<16xf32>
    %swap3A_821 = arith.constant 160 : index
    %swap3A_822 = tpu.vector_load %arg13[%swap3A_821] {strides = array<i32>} : memref<512xf32, #tpu.memory_space<vmem>>, vector<16xf32>,
    %swap3A_823 = vector.shape_cast %swap3A_822 : vector<16xf32> to vector<16xf32>
    %swap3A_824 = vector.shape_cast %div3A_820 : vector<16xf32> to vector<16xf32>
    tpu.vector_store %arg13[%swap3A_821], %swap3A_824 {strides = array<i32>} : memref<512xf32, #tpu.memory_space<vmem>>, vector<16xf32>,
    %get3A_825 = arith.constant 176 : index
    %get3A_826 = tpu.vector_load %arg10[%get3A_825] {strides = array<i32>} : memref<512xf32, #tpu.memory_space<vmem>>, vector<16xf32>,
    %get3A_827 = vector.shape_cast %get3A_826 : vector<16xf32> to vector<16xf32>
    %get3A_828 = arith.constant 176 : index
    %get3A_829 = tpu.vector_load %arg11[%get3A_828] {strides = array<i32>} : memref<512xf32, #tpu.memory_space<vmem>>, vector<16xf32>,
    %get3A_830 = vector.shape_cast %get3A_829 : vector<16xf32> to vector<16xf32>
    %add3A_831 = arith.addf %get3A_827, %get3A_830 : vector<16xf32>
    %add3A_832 = arith.addf %add3A_831, %get3A_585 : vector<16xf32>
    %neg3A_833 = arith.constant 0.000000e+00 : f32
    %neg3A_834 = vector.broadcast %neg3A_833 : f32 to vector<16xf32>
    %neg3A_835 = arith.subf %neg3A_834, %add3A_832 : vector<16xf32>
    %exp3A_836 = math.exp %neg3A_835 : vector<16xf32>
    %add3A_837 = arith.constant 1.000000e+00 : f32
    %add3A_838 = vector.broadcast %add3A_837 : f32 to vector<16xf32>
    %add3A_839 = arith.addf %add3A_838, %exp3A_836 : vector<16xf32>
    %div3A_840 = arith.constant 1.000000e+00 : f32
    %div3A_841 = vector.broadcast %div3A_840 : f32 to vector<16xf32>
    %div3A_842 = arith.divf %div3A_841, %add3A_839 : vector<16xf32>
    %swap3A_843 = arith.constant 176 : index
    %swap3A_844 = tpu.vector_load %arg13[%swap3A_843] {strides = array<i32>} : memref<512xf32, #tpu.memory_space<vmem>>, vector<16xf32>,
    %swap3A_845 = vector.shape_cast %swap3A_844 : vector<16xf32> to vector<16xf32>
    %swap3A_846 = vector.shape_cast %div3A_842 : vector<16xf32> to vector<16xf32>
    tpu.vector_store %arg13[%swap3A_843], %swap3A_846 {strides = array<i32>} : memref<512xf32, #tpu.memory_space<vmem>>, vector<16xf32>,
    %get3A_847 = arith.constant 192 : index
    %get3A_848 = tpu.vector_load %arg10[%get3A_847] {strides = array<i32>} : memref<512xf32, #tpu.memory_space<vmem>>, vector<16xf32>,
    %get3A_849 = vector.shape_cast %get3A_848 : vector<16xf32> to vector<16xf32>
    %get3A_850 = arith.constant 192 : index
    %get3A_851 = tpu.vector_load %arg11[%get3A_850] {strides = array<i32>} : memref<512xf32, #tpu.memory_space<vmem>>, vector<16xf32>,
    %get3A_852 = vector.shape_cast %get3A_851 : vector<16xf32> to vector<16xf32>
    %add3A_853 = arith.addf %get3A_849, %get3A_852 : vector<16xf32>
    %add3A_854 = arith.addf %add3A_853, %get3A_585 : vector<16xf32>
    %neg3A_855 = arith.constant 0.000000e+00 : f32
    %neg3A_856 = vector.broadcast %neg3A_855 : f32 to vector<16xf32>
    %neg3A_857 = arith.subf %neg3A_856, %add3A_854 : vector<16xf32>
    %exp3A_858 = math.exp %neg3A_857 : vector<16xf32>
    %add3A_859 = arith.constant 1.000000e+00 : f32
    %add3A_860 = vector.broadcast %add3A_859 : f32 to vector<16xf32>
    %add3A_861 = arith.addf %add3A_860, %exp3A_858 : vector<16xf32>
    %div3A_862 = arith.constant 1.000000e+00 : f32
    %div3A_863 = vector.broadcast %div3A_862 : f32 to vector<16xf32>
    %div3A_864 = arith.divf %div3A_863, %add3A_861 : vector<16xf32>
    %swap3A_865 = arith.constant 192 : index
    %swap3A_866 = tpu.vector_load %arg13[%swap3A_865] {strides = array<i32>} : memref<512xf32, #tpu.memory_space<vmem>>, vector<16xf32>,
    %swap3A_867 = vector.shape_cast %swap3A_866 : vector<16xf32> to vector<16xf32>
    %swap3A_868 = vector.shape_cast %div3A_864 : vector<16xf32> to vector<16xf32>
    tpu.vector_store %arg13[%swap3A_865], %swap3A_868 {strides = array<i32>} : memref<512xf32, #tpu.memory_space<vmem>>, vector<16xf32>,
    %get3A_869 = arith.constant 208 : index
    %get3A_870 = tpu.vector_load %arg10[%get3A_869] {strides = array<i32>} : memref<512xf32, #tpu.memory_space<vmem>>, vector<16xf32>,
    %get3A_871 = vector.shape_cast %get3A_870 : vector<16xf32> to vector<16xf32>
    %get3A_872 = arith.constant 208 : index
    %get3A_873 = tpu.vector_load %arg11[%get3A_872] {strides = array<i32>} : memref<512xf32, #tpu.memory_space<vmem>>, vector<16xf32>,
    %get3A_874 = vector.shape_cast %get3A_873 : vector<16xf32> to vector<16xf32>
    %add3A_875 = arith.addf %get3A_871, %get3A_874 : vector<16xf32>
    %add3A_876 = arith.addf %add3A_875, %get3A_585 : vector<16xf32>
    %neg3A_877 = arith.constant 0.000000e+00 : f32
    %neg3A_878 = vector.broadcast %neg3A_877 : f32 to vector<16xf32>
    %neg3A_879 = arith.subf %neg3A_878, %add3A_876 : vector<16xf32>
    %exp3A_880 = math.exp %neg3A_879 : vector<16xf32>
    %add3A_881 = arith.constant 1.000000e+00 : f32
    %add3A_882 = vector.broadcast %add3A_881 : f32 to vector<16xf32>
    %add3A_883 = arith.addf %add3A_882, %exp3A_880 : vector<16xf32>
    %div3A_884 = arith.constant 1.000000e+00 : f32
    %div3A_885 = vector.broadcast %div3A_884 : f32 to vector<16xf32>
    %div3A_886 = arith.divf %div3A_885, %add3A_883 : vector<16xf32>
    %swap3A_887 = arith.constant 208 : index
    %swap3A_888 = tpu.vector_load %arg13[%swap3A_887] {strides = array<i32>} : memref<512xf32, #tpu.memory_space<vmem>>, vector<16xf32>,
    %swap3A_889 = vector.shape_cast %swap3A_888 : vector<16xf32> to vector<16xf32>
    %swap3A_890 = vector.shape_cast %div3A_886 : vector<16xf32> to vector<16xf32>
    tpu.vector_store %arg13[%swap3A_887], %swap3A_890 {strides = array<i32>} : memref<512xf32, #tpu.memory_space<vmem>>, vector<16xf32>,
    %get3A_891 = arith.constant 224 : index
    %get3A_892 = tpu.vector_load %arg10[%get3A_891] {strides = array<i32>} : memref<512xf32, #tpu.memory_space<vmem>>, vector<16xf32>,
    %get3A_893 = vector.shape_cast %get3A_892 : vector<16xf32> to vector<16xf32>
    %get3A_894 = arith.constant 224 : index
    %get3A_895 = tpu.vector_load %arg11[%get3A_894] {strides = array<i32>} : memref<512xf32, #tpu.memory_space<vmem>>, vector<16xf32>,
    %get3A_896 = vector.shape_cast %get3A_895 : vector<16xf32> to vector<16xf32>
    %add3A_897 = arith.addf %get3A_893, %get3A_896 : vector<16xf32>
    %add3A_898 = arith.addf %add3A_897, %get3A_585 : vector<16xf32>
    %neg3A_899 = arith.constant 0.000000e+00 : f32
    %neg3A_900 = vector.broadcast %neg3A_899 : f32 to vector<16xf32>
    %neg3A_901 = arith.subf %neg3A_900, %add3A_898 : vector<16xf32>
    %exp3A_902 = math.exp %neg3A_901 : vector<16xf32>
    %add3A_903 = arith.constant 1.000000e+00 : f32
    %add3A_904 = vector.broadcast %add3A_903 : f32 to vector<16xf32>
    %add3A_905 = arith.addf %add3A_904, %exp3A_902 : vector<16xf32>
    %div3A_906 = arith.constant 1.000000e+00 : f32
    %div3A_907 = vector.broadcast %div3A_906 : f32 to vector<16xf32>
    %div3A_908 = arith.divf %div3A_907, %add3A_905 : vector<16xf32>
    %swap3A_909 = arith.constant 224 : index
    %swap3A_910 = tpu.vector_load %arg13[%swap3A_909] {strides = array<i32>} : memref<512xf32, #tpu.memory_space<vmem>>, vector<16xf32>,
    %swap3A_911 = vector.shape_cast %swap3A_910 : vector<16xf32> to vector<16xf32>
    %swap3A_912 = vector.shape_cast %div3A_908 : vector<16xf32> to vector<16xf32>
    tpu.vector_store %arg13[%swap3A_909], %swap3A_912 {strides = array<i32>} : memref<512xf32, #tpu.memory_space<vmem>>, vector<16xf32>,
    %get3A_913 = arith.constant 240 : index
    %get3A_914 = tpu.vector_load %arg10[%get3A_913] {strides = array<i32>} : memref<512xf32, #tpu.memory_space<vmem>>, vector<16xf32>,
    %get3A_915 = vector.shape_cast %get3A_914 : vector<16xf32> to vector<16xf32>
    %get3A_916 = arith.constant 240 : index
    %get3A_917 = tpu.vector_load %arg11[%get3A_916] {strides = array<i32>} : memref<512xf32, #tpu.memory_space<vmem>>, vector<16xf32>,
    %get3A_918 = vector.shape_cast %get3A_917 : vector<16xf32> to vector<16xf32>
    %add3A_919 = arith.addf %get3A_915, %get3A_918 : vector<16xf32>
    %add3A_920 = arith.addf %add3A_919, %get3A_585 : vector<16xf32>
    %neg3A_921 = arith.constant 0.000000e+00 : f32
    %neg3A_922 = vector.broadcast %neg3A_921 : f32 to vector<16xf32>
    %neg3A_923 = arith.subf %neg3A_922, %add3A_920 : vector<16xf32>
    %exp3A_924 = math.exp %neg3A_923 : vector<16xf32>
    %add3A_925 = arith.constant 1.000000e+00 : f32
    %add3A_926 = vector.broadcast %add3A_925 : f32 to vector<16xf32>
    %add3A_927 = arith.addf %add3A_926, %exp3A_924 : vector<16xf32>
    %div3A_928 = arith.constant 1.000000e+00 : f32
    %div3A_929 = vector.broadcast %div3A_928 : f32 to vector<16xf32>
    %div3A_930 = arith.divf %div3A_929, %add3A_927 : vector<16xf32>
    %swap3A_931 = arith.constant 240 : index
    %swap3A_932 = tpu.vector_load %arg13[%swap3A_931] {strides = array<i32>} : memref<512xf32, #tpu.memory_space<vmem>>, vector<16xf32>,
    %swap3A_933 = vector.shape_cast %swap3A_932 : vector<16xf32> to vector<16xf32>
    %swap3A_934 = vector.shape_cast %div3A_930 : vector<16xf32> to vector<16xf32>
    tpu.vector_store %arg13[%swap3A_931], %swap3A_934 {strides = array<i32>} : memref<512xf32, #tpu.memory_space<vmem>>, vector<16xf32>,
    %get3A_935 = arith.constant 256 : index
    %get3A_936 = tpu.vector_load %arg10[%get3A_935] {strides = array<i32>} : memref<512xf32, #tpu.memory_space<vmem>>, vector<16xf32>,
    %get3A_937 = vector.shape_cast %get3A_936 : vector<16xf32> to vector<16xf32>
    %get3A_938 = arith.constant 256 : index
    %get3A_939 = tpu.vector_load %arg11[%get3A_938] {strides = array<i32>} : memref<512xf32, #tpu.memory_space<vmem>>, vector<16xf32>,
    %get3A_940 = vector.shape_cast %get3A_939 : vector<16xf32> to vector<16xf32>
    %add3A_941 = arith.addf %get3A_937, %get3A_940 : vector<16xf32>
    %add3A_942 = arith.addf %add3A_941, %get3A_585 : vector<16xf32>
    %neg3A_943 = arith.constant 0.000000e+00 : f32
    %neg3A_944 = vector.broadcast %neg3A_943 : f32 to vector<16xf32>
    %neg3A_945 = arith.subf %neg3A_944, %add3A_942 : vector<16xf32>
    %exp3A_946 = math.exp %neg3A_945 : vector<16xf32>
    %add3A_947 = arith.constant 1.000000e+00 : f32
    %add3A_948 = vector.broadcast %add3A_947 : f32 to vector<16xf32>
    %add3A_949 = arith.addf %add3A_948, %exp3A_946 : vector<16xf32>
    %div3A_950 = arith.constant 1.000000e+00 : f32
    %div3A_951 = vector.broadcast %div3A_950 : f32 to vector<16xf32>
    %div3A_952 = arith.divf %div3A_951, %add3A_949 : vector<16xf32>
    %swap3A_953 = arith.constant 256 : index
    %swap3A_954 = tpu.vector_load %arg13[%swap3A_953] {strides = array<i32>} : memref<512xf32, #tpu.memory_space<vmem>>, vector<16xf32>,
    %swap3A_955 = vector.shape_cast %swap3A_954 : vector<16xf32> to vector<16xf32>
    %swap3A_956 = vector.shape_cast %div3A_952 : vector<16xf32> to vector<16xf32>
    tpu.vector_store %arg13[%swap3A_953], %swap3A_956 {strides = array<i32>} : memref<512xf32, #tpu.memory_space<vmem>>, vector<16xf32>,
    %get3A_957 = arith.constant 272 : index
    %get3A_958 = tpu.vector_load %arg10[%get3A_957] {strides = array<i32>} : memref<512xf32, #tpu.memory_space<vmem>>, vector<16xf32>,
    %get3A_959 = vector.shape_cast %get3A_958 : vector<16xf32> to vector<16xf32>
    %get3A_960 = arith.constant 272 : index
    %get3A_961 = tpu.vector_load %arg11[%get3A_960] {strides = array<i32>} : memref<512xf32, #tpu.memory_space<vmem>>, vector<16xf32>,
    %get3A_962 = vector.shape_cast %get3A_961 : vector<16xf32> to vector<16xf32>
    %add3A_963 = arith.addf %get3A_959, %get3A_962 : vector<16xf32>
    %add3A_964 = arith.addf %add3A_963, %get3A_585 : vector<16xf32>
    %neg3A_965 = arith.constant 0.000000e+00 : f32
    %neg3A_966 = vector.broadcast %neg3A_965 : f32 to vector<16xf32>
    %neg3A_967 = arith.subf %neg3A_966, %add3A_964 : vector<16xf32>
    %exp3A_968 = math.exp %neg3A_967 : vector<16xf32>
    %add3A_969 = arith.constant 1.000000e+00 : f32
    %add3A_970 = vector.broadcast %add3A_969 : f32 to vector<16xf32>
    %add3A_971 = arith.addf %add3A_970, %exp3A_968 : vector<16xf32>
    %div3A_972 = arith.constant 1.000000e+00 : f32
    %div3A_973 = vector.broadcast %div3A_972 : f32 to vector<16xf32>
    %div3A_974 = arith.divf %div3A_973, %add3A_971 : vector<16xf32>
    %swap3A_975 = arith.constant 272 : index
    %swap3A_976 = tpu.vector_load %arg13[%swap3A_975] {strides = array<i32>} : memref<512xf32, #tpu.memory_space<vmem>>, vector<16xf32>,
    %swap3A_977 = vector.shape_cast %swap3A_976 : vector<16xf32> to vector<16xf32>
    %swap3A_978 = vector.shape_cast %div3A_974 : vector<16xf32> to vector<16xf32>
    tpu.vector_store %arg13[%swap3A_975], %swap3A_978 {strides = array<i32>} : memref<512xf32, #tpu.memory_space<vmem>>, vector<16xf32>,
    %get3A_979 = arith.constant 288 : index
    %get3A_980 = tpu.vector_load %arg10[%get3A_979] {strides = array<i32>} : memref<512xf32, #tpu.memory_space<vmem>>, vector<16xf32>,
    %get3A_981 = vector.shape_cast %get3A_980 : vector<16xf32> to vector<16xf32>
    %get3A_982 = arith.constant 288 : index
    %get3A_983 = tpu.vector_load %arg11[%get3A_982] {strides = array<i32>} : memref<512xf32, #tpu.memory_space<vmem>>, vector<16xf32>,
    %get3A_984 = vector.shape_cast %get3A_983 : vector<16xf32> to vector<16xf32>
    %add3A_985 = arith.addf %get3A_981, %get3A_984 : vector<16xf32>
    %add3A_986 = arith.addf %add3A_985, %get3A_585 : vector<16xf32>
    %neg3A_987 = arith.constant 0.000000e+00 : f32
    %neg3A_988 = vector.broadcast %neg3A_987 : f32 to vector<16xf32>
    %neg3A_989 = arith.subf %neg3A_988, %add3A_986 : vector<16xf32>
    %exp3A_990 = math.exp %neg3A_989 : vector<16xf32>
    %add3A_991 = arith.constant 1.000000e+00 : f32
    %add3A_992 = vector.broadcast %add3A_991 : f32 to vector<16xf32>
    %add3A_993 = arith.addf %add3A_992, %exp3A_990 : vector<16xf32>
    %div3A_994 = arith.constant 1.000000e+00 : f32
    %div3A_995 = vector.broadcast %div3A_994 : f32 to vector<16xf32>
    %div3A_996 = arith.divf %div3A_995, %add3A_993 : vector<16xf32>
    %swap3A_997 = arith.constant 288 : index
    %swap3A_998 = tpu.vector_load %arg13[%swap3A_997] {strides = array<i32>} : memref<512xf32, #tpu.memory_space<vmem>>, vector<16xf32>,
    %swap3A_999 = vector.shape_cast %swap3A_998 : vector<16xf32> to vector<16xf32>
    %swap3A_1000 = vector.shape_cast %div3A_996 : vector<16xf32> to vector<16xf32>
    tpu.vector_store %arg13[%swap3A_997], %swap3A_1000 {strides = array<i32>} : memref<512xf32, #tpu.memory_space<vmem>>, vector<16xf32>,
    %get3A_1001 = arith.constant 304 : index
    %get3A_1002 = tpu.vector_load %arg10[%get3A_1001] {strides = array<i32>} : memref<512xf32, #tpu.memory_space<vmem>>, vector<16xf32>,
    %get3A_1003 = vector.shape_cast %get3A_1002 : vector<16xf32> to vector<16xf32>
    %get3A_1004 = arith.constant 304 : index
    %get3A_1005 = tpu.vector_load %arg11[%get3A_1004] {strides = array<i32>} : memref<512xf32, #tpu.memory_space<vmem>>, vector<16xf32>,
    %get3A_1006 = vector.shape_cast %get3A_1005 : vector<16xf32> to vector<16xf32>
    %add3A_1007 = arith.addf %get3A_1003, %get3A_1006 : vector<16xf32>
    %add3A_1008 = arith.addf %add3A_1007, %get3A_585 : vector<16xf32>
    %neg3A_1009 = arith.constant 0.000000e+00 : f32
    %neg3A_1010 = vector.broadcast %neg3A_1009 : f32 to vector<16xf32>
    %neg3A_1011 = arith.subf %neg3A_1010, %add3A_1008 : vector<16xf32>
    %exp3A_1012 = math.exp %neg3A_1011 : vector<16xf32>
    %add3A_1013 = arith.constant 1.000000e+00 : f32
    %add3A_1014 = vector.broadcast %add3A_1013 : f32 to vector<16xf32>
    %add3A_1015 = arith.addf %add3A_1014, %exp3A_1012 : vector<16xf32>
    %div3A_1016 = arith.constant 1.000000e+00 : f32
    %div3A_1017 = vector.broadcast %div3A_1016 : f32 to vector<16xf32>
    %div3A_1018 = arith.divf %div3A_1017, %add3A_1015 : vector<16xf32>
    %swap3A_1019 = arith.constant 304 : index
    %swap3A_1020 = tpu.vector_load %arg13[%swap3A_1019] {strides = array<i32>} : memref<512xf32, #tpu.memory_space<vmem>>, vector<16xf32>,
    %swap3A_1021 = vector.shape_cast %swap3A_1020 : vector<16xf32> to vector<16xf32>
    %swap3A_1022 = vector.shape_cast %div3A_1018 : vector<16xf32> to vector<16xf32>
    tpu.vector_store %arg13[%swap3A_1019], %swap3A_1022 {strides = array<i32>} : memref<512xf32, #tpu.memory_space<vmem>>, vector<16xf32>,
    %get3A_1023 = arith.constant 320 : index
    %get3A_1024 = tpu.vector_load %arg10[%get3A_1023] {strides = array<i32>} : memref<512xf32, #tpu.memory_space<vmem>>, vector<16xf32>,
    %get3A_1025 = vector.shape_cast %get3A_1024 : vector<16xf32> to vector<16xf32>
    %get3A_1026 = arith.constant 320 : index
    %get3A_1027 = tpu.vector_load %arg11[%get3A_1026] {strides = array<i32>} : memref<512xf32, #tpu.memory_space<vmem>>, vector<16xf32>,
    %get3A_1028 = vector.shape_cast %get3A_1027 : vector<16xf32> to vector<16xf32>
    %add3A_1029 = arith.addf %get3A_1025, %get3A_1028 : vector<16xf32>
    %add3A_1030 = arith.addf %add3A_1029, %get3A_585 : vector<16xf32>
    %neg3A_1031 = arith.constant 0.000000e+00 : f32
    %neg3A_1032 = vector.broadcast %neg3A_1031 : f32 to vector<16xf32>
    %neg3A_1033 = arith.subf %neg3A_1032, %add3A_1030 : vector<16xf32>
    %exp3A_1034 = math.exp %neg3A_1033 : vector<16xf32>
    %add3A_1035 = arith.constant 1.000000e+00 : f32
    %add3A_1036 = vector.broadcast %add3A_1035 : f32 to vector<16xf32>
    %add3A_1037 = arith.addf %add3A_1036, %exp3A_1034 : vector<16xf32>
    %div3A_1038 = arith.constant 1.000000e+00 : f32
    %div3A_1039 = vector.broadcast %div3A_1038 : f32 to vector<16xf32>
    %div3A_1040 = arith.divf %div3A_1039, %add3A_1037 : vector<16xf32>
    %swap3A_1041 = arith.constant 320 : index
    %swap3A_1042 = tpu.vector_load %arg13[%swap3A_1041] {strides = array<i32>} : memref<512xf32, #tpu.memory_space<vmem>>, vector<16xf32>,
    %swap3A_1043 = vector.shape_cast %swap3A_1042 : vector<16xf32> to vector<16xf32>
    %swap3A_1044 = vector.shape_cast %div3A_1040 : vector<16xf32> to vector<16xf32>
    tpu.vector_store %arg13[%swap3A_1041], %swap3A_1044 {strides = array<i32>} : memref<512xf32, #tpu.memory_space<vmem>>, vector<16xf32>,
    %get3A_1045 = arith.constant 336 : index
    %get3A_1046 = tpu.vector_load %arg10[%get3A_1045] {strides = array<i32>} : memref<512xf32, #tpu.memory_space<vmem>>, vector<16xf32>,
    %get3A_1047 = vector.shape_cast %get3A_1046 : vector<16xf32> to vector<16xf32>
    %get3A_1048 = arith.constant 336 : index
    %get3A_1049 = tpu.vector_load %arg11[%get3A_1048] {strides = array<i32>} : memref<512xf32, #tpu.memory_space<vmem>>, vector<16xf32>,
    %get3A_1050 = vector.shape_cast %get3A_1049 : vector<16xf32> to vector<16xf32>
    %add3A_1051 = arith.addf %get3A_1047, %get3A_1050 : vector<16xf32>
    %add3A_1052 = arith.addf %add3A_1051, %get3A_585 : vector<16xf32>
    %neg3A_1053 = arith.constant 0.000000e+00 : f32
    %neg3A_1054 = vector.broadcast %neg3A_1053 : f32 to vector<16xf32>
    %neg3A_1055 = arith.subf %neg3A_1054, %add3A_1052 : vector<16xf32>
    %exp3A_1056 = math.exp %neg3A_1055 : vector<16xf32>
    %add3A_1057 = arith.constant 1.000000e+00 : f32
    %add3A_1058 = vector.broadcast %add3A_1057 : f32 to vector<16xf32>
    %add3A_1059 = arith.addf %add3A_1058, %exp3A_1056 : vector<16xf32>
    %div3A_1060 = arith.constant 1.000000e+00 : f32
    %div3A_1061 = vector.broadcast %div3A_1060 : f32 to vector<16xf32>
    %div3A_1062 = arith.divf %div3A_1061, %add3A_1059 : vector<16xf32>
    %swap3A_1063 = arith.constant 336 : index
    %swap3A_1064 = tpu.vector_load %arg13[%swap3A_1063] {strides = array<i32>} : memref<512xf32, #tpu.memory_space<vmem>>, vector<16xf32>,
    %swap3A_1065 = vector.shape_cast %swap3A_1064 : vector<16xf32> to vector<16xf32>
    %swap3A_1066 = vector.shape_cast %div3A_1062 : vector<16xf32> to vector<16xf32>
    tpu.vector_store %arg13[%swap3A_1063], %swap3A_1066 {strides = array<i32>} : memref<512xf32, #tpu.memory_space<vmem>>, vector<16xf32>,
    %get3A_1067 = arith.constant 352 : index
    %get3A_1068 = tpu.vector_load %arg10[%get3A_1067] {strides = array<i32>} : memref<512xf32, #tpu.memory_space<vmem>>, vector<16xf32>,
    %get3A_1069 = vector.shape_cast %get3A_1068 : vector<16xf32> to vector<16xf32>
    %get3A_1070 = arith.constant 352 : index
    %get3A_1071 = tpu.vector_load %arg11[%get3A_1070] {strides = array<i32>} : memref<512xf32, #tpu.memory_space<vmem>>, vector<16xf32>,
    %get3A_1072 = vector.shape_cast %get3A_1071 : vector<16xf32> to vector<16xf32>
    %add3A_1073 = arith.addf %get3A_1069, %get3A_1072 : vector<16xf32>
    %add3A_1074 = arith.addf %add3A_1073, %get3A_585 : vector<16xf32>
    %neg3A_1075 = arith.constant 0.000000e+00 : f32
    %neg3A_1076 = vector.broadcast %neg3A_1075 : f32 to vector<16xf32>
    %neg3A_1077 = arith.subf %neg3A_1076, %add3A_1074 : vector<16xf32>
    %exp3A_1078 = math.exp %neg3A_1077 : vector<16xf32>
    %add3A_1079 = arith.constant 1.000000e+00 : f32
    %add3A_1080 = vector.broadcast %add3A_1079 : f32 to vector<16xf32>
    %add3A_1081 = arith.addf %add3A_1080, %exp3A_1078 : vector<16xf32>
    %div3A_1082 = arith.constant 1.000000e+00 : f32
    %div3A_1083 = vector.broadcast %div3A_1082 : f32 to vector<16xf32>
    %div3A_1084 = arith.divf %div3A_1083, %add3A_1081 : vector<16xf32>
    %swap3A_1085 = arith.constant 352 : index
    %swap3A_1086 = tpu.vector_load %arg13[%swap3A_1085] {strides = array<i32>} : memref<512xf32, #tpu.memory_space<vmem>>, vector<16xf32>,
    %swap3A_1087 = vector.shape_cast %swap3A_1086 : vector<16xf32> to vector<16xf32>
    %swap3A_1088 = vector.shape_cast %div3A_1084 : vector<16xf32> to vector<16xf32>
    tpu.vector_store %arg13[%swap3A_1085], %swap3A_1088 {strides = array<i32>} : memref<512xf32, #tpu.memory_space<vmem>>, vector<16xf32>,
    %get3A_1089 = arith.constant 368 : index
    %get3A_1090 = tpu.vector_load %arg10[%get3A_1089] {strides = array<i32>} : memref<512xf32, #tpu.memory_space<vmem>>, vector<16xf32>,
    %get3A_1091 = vector.shape_cast %get3A_1090 : vector<16xf32> to vector<16xf32>
    %get3A_1092 = arith.constant 368 : index
    %get3A_1093 = tpu.vector_load %arg11[%get3A_1092] {strides = array<i32>} : memref<512xf32, #tpu.memory_space<vmem>>, vector<16xf32>,
    %get3A_1094 = vector.shape_cast %get3A_1093 : vector<16xf32> to vector<16xf32>
    %add3A_1095 = arith.addf %get3A_1091, %get3A_1094 : vector<16xf32>
    %add3A_1096 = arith.addf %add3A_1095, %get3A_585 : vector<16xf32>
    %neg3A_1097 = arith.constant 0.000000e+00 : f32
    %neg3A_1098 = vector.broadcast %neg3A_1097 : f32 to vector<16xf32>
    %neg3A_1099 = arith.subf %neg3A_1098, %add3A_1096 : vector<16xf32>
    %exp3A_1100 = math.exp %neg3A_1099 : vector<16xf32>
    %add3A_1101 = arith.constant 1.000000e+00 : f32
    %add3A_1102 = vector.broadcast %add3A_1101 : f32 to vector<16xf32>
    %add3A_1103 = arith.addf %add3A_1102, %exp3A_1100 : vector<16xf32>
    %div3A_1104 = arith.constant 1.000000e+00 : f32
    %div3A_1105 = vector.broadcast %div3A_1104 : f32 to vector<16xf32>
    %div3A_1106 = arith.divf %div3A_1105, %add3A_1103 : vector<16xf32>
    %swap3A_1107 = arith.constant 368 : index
    %swap3A_1108 = tpu.vector_load %arg13[%swap3A_1107] {strides = array<i32>} : memref<512xf32, #tpu.memory_space<vmem>>, vector<16xf32>,
    %swap3A_1109 = vector.shape_cast %swap3A_1108 : vector<16xf32> to vector<16xf32>
    %swap3A_1110 = vector.shape_cast %div3A_1106 : vector<16xf32> to vector<16xf32>
    tpu.vector_store %arg13[%swap3A_1107], %swap3A_1110 {strides = array<i32>} : memref<512xf32, #tpu.memory_space<vmem>>, vector<16xf32>,
    %get3A_1111 = arith.constant 384 : index
    %get3A_1112 = tpu.vector_load %arg10[%get3A_1111] {strides = array<i32>} : memref<512xf32, #tpu.memory_space<vmem>>, vector<16xf32>,
    %get3A_1113 = vector.shape_cast %get3A_1112 : vector<16xf32> to vector<16xf32>
    %get3A_1114 = arith.constant 384 : index
    %get3A_1115 = tpu.vector_load %arg11[%get3A_1114] {strides = array<i32>} : memref<512xf32, #tpu.memory_space<vmem>>, vector<16xf32>,
    %get3A_1116 = vector.shape_cast %get3A_1115 : vector<16xf32> to vector<16xf32>
    %add3A_1117 = arith.addf %get3A_1113, %get3A_1116 : vector<16xf32>
    %add3A_1118 = arith.addf %add3A_1117, %get3A_585 : vector<16xf32>
    %neg3A_1119 = arith.constant 0.000000e+00 : f32
    %neg3A_1120 = vector.broadcast %neg3A_1119 : f32 to vector<16xf32>
    %neg3A_1121 = arith.subf %neg3A_1120, %add3A_1118 : vector<16xf32>
    %exp3A_1122 = math.exp %neg3A_1121 : vector<16xf32>
    %add3A_1123 = arith.constant 1.000000e+00 : f32
    %add3A_1124 = vector.broadcast %add3A_1123 : f32 to vector<16xf32>
    %add3A_1125 = arith.addf %add3A_1124, %exp3A_1122 : vector<16xf32>
    %div3A_1126 = arith.constant 1.000000e+00 : f32
    %div3A_1127 = vector.broadcast %div3A_1126 : f32 to vector<16xf32>
    %div3A_1128 = arith.divf %div3A_1127, %add3A_1125 : vector<16xf32>
    %swap3A_1129 = arith.constant 384 : index
    %swap3A_1130 = tpu.vector_load %arg13[%swap3A_1129] {strides = array<i32>} : memref<512xf32, #tpu.memory_space<vmem>>, vector<16xf32>,
    %swap3A_1131 = vector.shape_cast %swap3A_1130 : vector<16xf32> to vector<16xf32>
    %swap3A_1132 = vector.shape_cast %div3A_1128 : vector<16xf32> to vector<16xf32>
    tpu.vector_store %arg13[%swap3A_1129], %swap3A_1132 {strides = array<i32>} : memref<512xf32, #tpu.memory_space<vmem>>, vector<16xf32>,
    %get3A_1133 = arith.constant 400 : index
    %get3A_1134 = tpu.vector_load %arg10[%get3A_1133] {strides = array<i32>} : memref<512xf32, #tpu.memory_space<vmem>>, vector<16xf32>,
    %get3A_1135 = vector.shape_cast %get3A_1134 : vector<16xf32> to vector<16xf32>
    %get3A_1136 = arith.constant 400 : index
    %get3A_1137 = tpu.vector_load %arg11[%get3A_1136] {strides = array<i32>} : memref<512xf32, #tpu.memory_space<vmem>>, vector<16xf32>,
    %get3A_1138 = vector.shape_cast %get3A_1137 : vector<16xf32> to vector<16xf32>
    %add3A_1139 = arith.addf %get3A_1135, %get3A_1138 : vector<16xf32>
    %add3A_1140 = arith.addf %add3A_1139, %get3A_585 : vector<16xf32>
    %neg3A_1141 = arith.constant 0.000000e+00 : f32
    %neg3A_1142 = vector.broadcast %neg3A_1141 : f32 to vector<16xf32>
    %neg3A_1143 = arith.subf %neg3A_1142, %add3A_1140 : vector<16xf32>
    %exp3A_1144 = math.exp %neg3A_1143 : vector<16xf32>
    %add3A_1145 = arith.constant 1.000000e+00 : f32
    %add3A_1146 = vector.broadcast %add3A_1145 : f32 to vector<16xf32>
    %add3A_1147 = arith.addf %add3A_1146, %exp3A_1144 : vector<16xf32>
    %div3A_1148 = arith.constant 1.000000e+00 : f32
    %div3A_1149 = vector.broadcast %div3A_1148 : f32 to vector<16xf32>
    %div3A_1150 = arith.divf %div3A_1149, %add3A_1147 : vector<16xf32>
    %swap3A_1151 = arith.constant 400 : index
    %swap3A_1152 = tpu.vector_load %arg13[%swap3A_1151] {strides = array<i32>} : memref<512xf32, #tpu.memory_space<vmem>>, vector<16xf32>,
    %swap3A_1153 = vector.shape_cast %swap3A_1152 : vector<16xf32> to vector<16xf32>
    %swap3A_1154 = vector.shape_cast %div3A_1150 : vector<16xf32> to vector<16xf32>
    tpu.vector_store %arg13[%swap3A_1151], %swap3A_1154 {strides = array<i32>} : memref<512xf32, #tpu.memory_space<vmem>>, vector<16xf32>,
    %get3A_1155 = arith.constant 416 : index
    %get3A_1156 = tpu.vector_load %arg10[%get3A_1155] {strides = array<i32>} : memref<512xf32, #tpu.memory_space<vmem>>, vector<16xf32>,
    %get3A_1157 = vector.shape_cast %get3A_1156 : vector<16xf32> to vector<16xf32>
    %get3A_1158 = arith.constant 416 : index
    %get3A_1159 = tpu.vector_load %arg11[%get3A_1158] {strides = array<i32>} : memref<512xf32, #tpu.memory_space<vmem>>, vector<16xf32>,
    %get3A_1160 = vector.shape_cast %get3A_1159 : vector<16xf32> to vector<16xf32>
    %add3A_1161 = arith.addf %get3A_1157, %get3A_1160 : vector<16xf32>
    %add3A_1162 = arith.addf %add3A_1161, %get3A_585 : vector<16xf32>
    %neg3A_1163 = arith.constant 0.000000e+00 : f32
    %neg3A_1164 = vector.broadcast %neg3A_1163 : f32 to vector<16xf32>
    %neg3A_1165 = arith.subf %neg3A_1164, %add3A_1162 : vector<16xf32>
    %exp3A_1166 = math.exp %neg3A_1165 : vector<16xf32>
    %add3A_1167 = arith.constant 1.000000e+00 : f32
    %add3A_1168 = vector.broadcast %add3A_1167 : f32 to vector<16xf32>
    %add3A_1169 = arith.addf %add3A_1168, %exp3A_1166 : vector<16xf32>
    %div3A_1170 = arith.constant 1.000000e+00 : f32
    %div3A_1171 = vector.broadcast %div3A_1170 : f32 to vector<16xf32>
    %div3A_1172 = arith.divf %div3A_1171, %add3A_1169 : vector<16xf32>
    %swap3A_1173 = arith.constant 416 : index
    %swap3A_1174 = tpu.vector_load %arg13[%swap3A_1173] {strides = array<i32>} : memref<512xf32, #tpu.memory_space<vmem>>, vector<16xf32>,
    %swap3A_1175 = vector.shape_cast %swap3A_1174 : vector<16xf32> to vector<16xf32>
    %swap3A_1176 = vector.shape_cast %div3A_1172 : vector<16xf32> to vector<16xf32>
    tpu.vector_store %arg13[%swap3A_1173], %swap3A_1176 {strides = array<i32>} : memref<512xf32, #tpu.memory_space<vmem>>, vector<16xf32>,
    %get3A_1177 = arith.constant 432 : index
    %get3A_1178 = tpu.vector_load %arg10[%get3A_1177] {strides = array<i32>} : memref<512xf32, #tpu.memory_space<vmem>>, vector<16xf32>,
    %get3A_1179 = vector.shape_cast %get3A_1178 : vector<16xf32> to vector<16xf32>
    %get3A_1180 = arith.constant 432 : index
    %get3A_1181 = tpu.vector_load %arg11[%get3A_1180] {strides = array<i32>} : memref<512xf32, #tpu.memory_space<vmem>>, vector<16xf32>,
    %get3A_1182 = vector.shape_cast %get3A_1181 : vector<16xf32> to vector<16xf32>
    %add3A_1183 = arith.addf %get3A_1179, %get3A_1182 : vector<16xf32>
    %add3A_1184 = arith.addf %add3A_1183, %get3A_585 : vector<16xf32>
    %neg3A_1185 = arith.constant 0.000000e+00 : f32
    %neg3A_1186 = vector.broadcast %neg3A_1185 : f32 to vector<16xf32>
    %neg3A_1187 = arith.subf %neg3A_1186, %add3A_1184 : vector<16xf32>
    %exp3A_1188 = math.exp %neg3A_1187 : vector<16xf32>
    %add3A_1189 = arith.constant 1.000000e+00 : f32
    %add3A_1190 = vector.broadcast %add3A_1189 : f32 to vector<16xf32>
    %add3A_1191 = arith.addf %add3A_1190, %exp3A_1188 : vector<16xf32>
    %div3A_1192 = arith.constant 1.000000e+00 : f32
    %div3A_1193 = vector.broadcast %div3A_1192 : f32 to vector<16xf32>
    %div3A_1194 = arith.divf %div3A_1193, %add3A_1191 : vector<16xf32>
    %swap3A_1195 = arith.constant 432 : index
    %swap3A_1196 = tpu.vector_load %arg13[%swap3A_1195] {strides = array<i32>} : memref<512xf32, #tpu.memory_space<vmem>>, vector<16xf32>,
    %swap3A_1197 = vector.shape_cast %swap3A_1196 : vector<16xf32> to vector<16xf32>
    %swap3A_1198 = vector.shape_cast %div3A_1194 : vector<16xf32> to vector<16xf32>
    tpu.vector_store %arg13[%swap3A_1195], %swap3A_1198 {strides = array<i32>} : memref<512xf32, #tpu.memory_space<vmem>>, vector<16xf32>,
    %get3A_1199 = arith.constant 448 : index
    %get3A_1200 = tpu.vector_load %arg10[%get3A_1199] {strides = array<i32>} : memref<512xf32, #tpu.memory_space<vmem>>, vector<16xf32>,
    %get3A_1201 = vector.shape_cast %get3A_1200 : vector<16xf32> to vector<16xf32>
    %get3A_1202 = arith.constant 448 : index
    %get3A_1203 = tpu.vector_load %arg11[%get3A_1202] {strides = array<i32>} : memref<512xf32, #tpu.memory_space<vmem>>, vector<16xf32>,
    %get3A_1204 = vector.shape_cast %get3A_1203 : vector<16xf32> to vector<16xf32>
    %add3A_1205 = arith.addf %get3A_1201, %get3A_1204 : vector<16xf32>
    %add3A_1206 = arith.addf %add3A_1205, %get3A_585 : vector<16xf32>
    %neg3A_1207 = arith.constant 0.000000e+00 : f32
    %neg3A_1208 = vector.broadcast %neg3A_1207 : f32 to vector<16xf32>
    %neg3A_1209 = arith.subf %neg3A_1208, %add3A_1206 : vector<16xf32>
    %exp3A_1210 = math.exp %neg3A_1209 : vector<16xf32>
    %add3A_1211 = arith.constant 1.000000e+00 : f32
    %add3A_1212 = vector.broadcast %add3A_1211 : f32 to vector<16xf32>
    %add3A_1213 = arith.addf %add3A_1212, %exp3A_1210 : vector<16xf32>
    %div3A_1214 = arith.constant 1.000000e+00 : f32
    %div3A_1215 = vector.broadcast %div3A_1214 : f32 to vector<16xf32>
    %div3A_1216 = arith.divf %div3A_1215, %add3A_1213 : vector<16xf32>
    %swap3A_1217 = arith.constant 448 : index
    %swap3A_1218 = tpu.vector_load %arg13[%swap3A_1217] {strides = array<i32>} : memref<512xf32, #tpu.memory_space<vmem>>, vector<16xf32>,
    %swap3A_1219 = vector.shape_cast %swap3A_1218 : vector<16xf32> to vector<16xf32>
    %swap3A_1220 = vector.shape_cast %div3A_1216 : vector<16xf32> to vector<16xf32>
    tpu.vector_store %arg13[%swap3A_1217], %swap3A_1220 {strides = array<i32>} : memref<512xf32, #tpu.memory_space<vmem>>, vector<16xf32>,
    %get3A_1221 = arith.constant 464 : index
    %get3A_1222 = tpu.vector_load %arg10[%get3A_1221] {strides = array<i32>} : memref<512xf32, #tpu.memory_space<vmem>>, vector<16xf32>,
    %get3A_1223 = vector.shape_cast %get3A_1222 : vector<16xf32> to vector<16xf32>
    %get3A_1224 = arith.constant 464 : index
    %get3A_1225 = tpu.vector_load %arg11[%get3A_1224] {strides = array<i32>} : memref<512xf32, #tpu.memory_space<vmem>>, vector<16xf32>,
    %get3A_1226 = vector.shape_cast %get3A_1225 : vector<16xf32> to vector<16xf32>
    %add3A_1227 = arith.addf %get3A_1223, %get3A_1226 : vector<16xf32>
    %add3A_1228 = arith.addf %add3A_1227, %get3A_585 : vector<16xf32>
    %neg3A_1229 = arith.constant 0.000000e+00 : f32
    %neg3A_1230 = vector.broadcast %neg3A_1229 : f32 to vector<16xf32>
    %neg3A_1231 = arith.subf %neg3A_1230, %add3A_1228 : vector<16xf32>
    %exp3A_1232 = math.exp %neg3A_1231 : vector<16xf32>
    %add3A_1233 = arith.constant 1.000000e+00 : f32
    %add3A_1234 = vector.broadcast %add3A_1233 : f32 to vector<16xf32>
    %add3A_1235 = arith.addf %add3A_1234, %exp3A_1232 : vector<16xf32>
    %div3A_1236 = arith.constant 1.000000e+00 : f32
    %div3A_1237 = vector.broadcast %div3A_1236 : f32 to vector<16xf32>
    %div3A_1238 = arith.divf %div3A_1237, %add3A_1235 : vector<16xf32>
    %swap3A_1239 = arith.constant 464 : index
    %swap3A_1240 = tpu.vector_load %arg13[%swap3A_1239] {strides = array<i32>} : memref<512xf32, #tpu.memory_space<vmem>>, vector<16xf32>,
    %swap3A_1241 = vector.shape_cast %swap3A_1240 : vector<16xf32> to vector<16xf32>
    %swap3A_1242 = vector.shape_cast %div3A_1238 : vector<16xf32> to vector<16xf32>
    tpu.vector_store %arg13[%swap3A_1239], %swap3A_1242 {strides = array<i32>} : memref<512xf32, #tpu.memory_space<vmem>>, vector<16xf32>,
    %get3A_1243 = arith.constant 480 : index
    %get3A_1244 = tpu.vector_load %arg10[%get3A_1243] {strides = array<i32>} : memref<512xf32, #tpu.memory_space<vmem>>, vector<16xf32>,
    %get3A_1245 = vector.shape_cast %get3A_1244 : vector<16xf32> to vector<16xf32>
    %get3A_1246 = arith.constant 480 : index
    %get3A_1247 = tpu.vector_load %arg11[%get3A_1246] {strides = array<i32>} : memref<512xf32, #tpu.memory_space<vmem>>, vector<16xf32>,
    %get3A_1248 = vector.shape_cast %get3A_1247 : vector<16xf32> to vector<16xf32>
    %add3A_1249 = arith.addf %get3A_1245, %get3A_1248 : vector<16xf32>
    %add3A_1250 = arith.addf %add3A_1249, %get3A_585 : vector<16xf32>
    %neg3A_1251 = arith.constant 0.000000e+00 : f32
    %neg3A_1252 = vector.broadcast %neg3A_1251 : f32 to vector<16xf32>
    %neg3A_1253 = arith.subf %neg3A_1252, %add3A_1250 : vector<16xf32>
    %exp3A_1254 = math.exp %neg3A_1253 : vector<16xf32>
    %add3A_1255 = arith.constant 1.000000e+00 : f32
    %add3A_1256 = vector.broadcast %add3A_1255 : f32 to vector<16xf32>
    %add3A_1257 = arith.addf %add3A_1256, %exp3A_1254 : vector<16xf32>
    %div3A_1258 = arith.constant 1.000000e+00 : f32
    %div3A_1259 = vector.broadcast %div3A_1258 : f32 to vector<16xf32>
    %div3A_1260 = arith.divf %div3A_1259, %add3A_1257 : vector<16xf32>
    %swap3A_1261 = arith.constant 480 : index
    %swap3A_1262 = tpu.vector_load %arg13[%swap3A_1261] {strides = array<i32>} : memref<512xf32, #tpu.memory_space<vmem>>, vector<16xf32>,
    %swap3A_1263 = vector.shape_cast %swap3A_1262 : vector<16xf32> to vector<16xf32>
    %swap3A_1264 = vector.shape_cast %div3A_1260 : vector<16xf32> to vector<16xf32>
    tpu.vector_store %arg13[%swap3A_1261], %swap3A_1264 {strides = array<i32>} : memref<512xf32, #tpu.memory_space<vmem>>, vector<16xf32>,
    %get3A_1265 = arith.constant 496 : index
    %get3A_1266 = tpu.vector_load %arg10[%get3A_1265] {strides = array<i32>} : memref<512xf32, #tpu.memory_space<vmem>>, vector<16xf32>,
    %get3A_1267 = vector.shape_cast %get3A_1266 : vector<16xf32> to vector<16xf32>
    %get3A_1268 = arith.constant 496 : index
    %get3A_1269 = tpu.vector_load %arg11[%get3A_1268] {strides = array<i32>} : memref<512xf32, #tpu.memory_space<vmem>>, vector<16xf32>,
    %get3A_1270 = vector.shape_cast %get3A_1269 : vector<16xf32> to vector<16xf32>
    %add3A_1271 = arith.addf %get3A_1267, %get3A_1270 : vector<16xf32>
    %add3A_1272 = arith.addf %add3A_1271, %get3A_585 : vector<16xf32>
    %neg3A_1273 = arith.constant 0.000000e+00 : f32
    %neg3A_1274 = vector.broadcast %neg3A_1273 : f32 to vector<16xf32>
    %neg3A_1275 = arith.subf %neg3A_1274, %add3A_1272 : vector<16xf32>
    %exp3A_1276 = math.exp %neg3A_1275 : vector<16xf32>
    %add3A_1277 = arith.constant 1.000000e+00 : f32
    %add3A_1278 = vector.broadcast %add3A_1277 : f32 to vector<16xf32>
    %add3A_1279 = arith.addf %add3A_1278, %exp3A_1276 : vector<16xf32>
    %div3A_1280 = arith.constant 1.000000e+00 : f32
    %div3A_1281 = vector.broadcast %div3A_1280 : f32 to vector<16xf32>
    %div3A_1282 = arith.divf %div3A_1281, %add3A_1279 : vector<16xf32>
    %swap3A_1283 = arith.constant 496 : index
    %swap3A_1284 = tpu.vector_load %arg13[%swap3A_1283] {strides = array<i32>} : memref<512xf32, #tpu.memory_space<vmem>>, vector<16xf32>,
    %swap3A_1285 = vector.shape_cast %swap3A_1284 : vector<16xf32> to vector<16xf32>
    %swap3A_1286 = vector.shape_cast %div3A_1282 : vector<16xf32> to vector<16xf32>
    tpu.vector_store %arg13[%swap3A_1283], %swap3A_1286 {strides = array<i32>} : memref<512xf32, #tpu.memory_space<vmem>>, vector<16xf32>,
    "tpu.region"() ({
      %run_scoped3A = tpu.sem_alloc : memref<!tpu.dma_semaphore, #tpu.memory_space<semaphore_mem>>
      %dma_start3A_1287 = tpu.memref_slice %arg6[%multiple_of3A] : memref<16384xf32, #tpu.memory_space<hbm>> -> memref<512xf32, #tpu.memory_space<hbm>>
      %dma_start3A_1288 = tpu.memref_slice %arg6[%multiple_of3A] : memref<16384xf32, #tpu.memory_space<hbm>> -> memref<512xf32, #tpu.memory_space<hbm>>
      tpu.enqueue_dma source(%arg13 : memref<512xf32, #tpu.memory_space<vmem>>) target(%dma_start3A_1288 : memref<512xf32, #tpu.memory_space<hbm>>) target_semaphore(%run_scoped3A : memref<!tpu.dma_semaphore, #tpu.memory_space<semaphore_mem>>)
      %dma_wait3A_1289 = tpu.memref_slice %arg6[%multiple_of3A] : memref<16384xf32, #tpu.memory_space<hbm>> -> memref<512xf32, #tpu.memory_space<hbm>>
      %dma_wait3A_1290 = tpu.memref_slice %arg6[%multiple_of3A] : memref<16384xf32, #tpu.memory_space<hbm>> -> memref<512xf32, #tpu.memory_space<hbm>>
      tpu.wait_dma2 semaphore(%run_scoped3A : memref<!tpu.dma_semaphore, #tpu.memory_space<semaphore_mem>>) src(%arg13 : memref<512xf32, #tpu.memory_space<vmem>>) dst(%dma_wait3A_1290 : memref<512xf32, #tpu.memory_space<hbm>>)
      tpu.yield
    }) : () -> ()
    return
  }
}

module attributes {stable_mosaic.version = 14 : i64} {
  func.func @_matvec_body(%arg0: i32, %arg1: memref<32x45056xf32, #tpu.memory_space<vmem>>, %arg2: memref<32x45056xf32, #tpu.memory_space<vmem>>, %arg3: memref<32x128xf32, #tpu.memory_space<vmem>>, %arg4: memref<32x128xf32, #tpu.memory_space<vmem>>, %arg5: memref<45056xf32, #tpu.memory_space<vmem>>, %arg6: memref<45056xf32, #tpu.memory_space<vmem>>) attributes {dimension_semantics = [#tpu.dimension_semantics<arbitrary>], iteration_bounds = array<i64: 23>, scalar_prefetch = 0 : i64, scratch_operands = 0 : i64, tpu.core_type = #tpu.core_type<tc>, window_params = [{transform_indices = @transform_0, window_bounds = array<i64: 32, 45056>}, {transform_indices = @transform_1, window_bounds = array<i64: 32, 45056>}, {pipeline_mode = #tpu.pipeline_mode<synchronous>, transform_indices = @transform_2, window_bounds = array<i64: 32, 128>}, {pipeline_mode = #tpu.pipeline_mode<synchronous>, transform_indices = @transform_3, window_bounds = array<i64: 32, 128>}, {transform_indices = @transform_4, window_bounds = array<i64: 45056>}, {transform_indices = @transform_5, window_bounds = array<i64: 45056>}]} {
    %get3A = arith.constant 0 : index
    %get3A_0 = arith.constant 0 : index
    %get3A_1 = vector.load %arg3[%get3A, %get3A_0] : memref<32x128xf32, #tpu.memory_space<vmem>>, vector<32x128xf32>
    %slice3A = vector.extract_strided_slice %get3A_1 {offsets = [0, 0], sizes = [32, 1], strides = [1, 1]} : vector<32x128xf32> to vector<32x1xf32>
    %get3A_2 = arith.constant 0 : index
    %get3A_3 = arith.constant 0 : index
    %get3A_4 = vector.load %arg4[%get3A_2, %get3A_3] : memref<32x128xf32, #tpu.memory_space<vmem>>, vector<32x128xf32>
    %slice3A_5 = vector.extract_strided_slice %get3A_4 {offsets = [0, 0], sizes = [32, 1], strides = [1, 1]} : vector<32x128xf32> to vector<32x1xf32>
    %get3A_6 = arith.constant 0 : index
    %get3A_7 = arith.constant 0 : index
    %get3A_8 = vector.load %arg1[%get3A_6, %get3A_7] : memref<32x45056xf32, #tpu.memory_space<vmem>>, vector<32x45056xf32>
    %mul3A = vector.broadcast %slice3A : vector<32x1xf32> to vector<32x45056xf32>
    %mul3A_9 = arith.mulf %get3A_8, %mul3A : vector<32x45056xf32>
    %reduce_sum3A = arith.constant dense<0.000000e+00> : vector<45056xf32>
    %reduce_sum3A_10 = vector.multi_reduction <add>, %mul3A_9, %reduce_sum3A [0] : vector<32x45056xf32> to vector<45056xf32>
    %swap3A = arith.constant 0 : index
    %swap3A_11 = vector.load %arg5[%swap3A] : memref<45056xf32, #tpu.memory_space<vmem>>, vector<45056xf32>
    tpu.vector_store %arg5[%swap3A], %reduce_sum3A_10 {strides = array<i32>} : memref<45056xf32, #tpu.memory_space<vmem>>, vector<45056xf32>,
    %get3A_12 = arith.constant 0 : index
    %get3A_13 = arith.constant 0 : index
    %get3A_14 = vector.load %arg2[%get3A_12, %get3A_13] : memref<32x45056xf32, #tpu.memory_space<vmem>>, vector<32x45056xf32>
    %mul3A_15 = vector.broadcast %slice3A_5 : vector<32x1xf32> to vector<32x45056xf32>
    %mul3A_16 = arith.mulf %get3A_14, %mul3A_15 : vector<32x45056xf32>
    %reduce_sum3A_17 = arith.constant dense<0.000000e+00> : vector<45056xf32>
    %reduce_sum3A_18 = vector.multi_reduction <add>, %mul3A_16, %reduce_sum3A_17 [0] : vector<32x45056xf32> to vector<45056xf32>
    %swap3A_19 = arith.constant 0 : index
    %swap3A_20 = vector.load %arg6[%swap3A_19] : memref<45056xf32, #tpu.memory_space<vmem>>, vector<45056xf32>
    tpu.vector_store %arg6[%swap3A_19], %reduce_sum3A_18 {strides = array<i32>} : memref<45056xf32, #tpu.memory_space<vmem>>, vector<45056xf32>,
    return
  }
  func.func @transform_0(%arg0: i32) -> (i32, i32) {
    %c0_i32 = arith.constant 0 : i32
    %c0_i32_0 = arith.constant 0 : i32
    return %c0_i32, %arg0 : i32, i32
  }
  func.func @transform_1(%arg0: i32) -> (i32, i32) {
    %c0_i32 = arith.constant 0 : i32
    %c0_i32_0 = arith.constant 0 : i32
    return %c0_i32, %arg0 : i32, i32
  }
  func.func @transform_2(%arg0: i32) -> (i32, i32) {
    %c0_i32 = arith.constant 0 : i32
    %c0_i32_0 = arith.constant 0 : i32
    %c0_i32_1 = arith.constant 0 : i32
    return %c0_i32, %c0_i32_0 : i32, i32
  }
  func.func @transform_3(%arg0: i32) -> (i32, i32) {
    %c0_i32 = arith.constant 0 : i32
    %c0_i32_0 = arith.constant 0 : i32
    %c0_i32_1 = arith.constant 0 : i32
    return %c0_i32, %c0_i32_0 : i32, i32
  }
  func.func @transform_4(%arg0: i32) -> i32 {
    %c0_i32 = arith.constant 0 : i32
    return %arg0 : i32
  }
  func.func @transform_5(%arg0: i32) -> i32 {
    %c0_i32 = arith.constant 0 : i32
    return %arg0 : i32
  }
}

</mosaic_0001>

<sc_bundles>
// kernel: kernel.4.cloned.1.call-start
scs
__scs_entry_jumppad:
0x0: {  	(pc) =	sbr.rel $0x88, $3  }
0x1: {  	(tag) =	ssettag $0x0;
	lr =	simm.s32 $0x1  }
0x2: {  	[smem:$0x3F9C] =	sst lr;
	_ =	strace $0xD0000000  }
0x3: {  	_ = 	snop  }
0x4: {  	_ = 	snop  }
0x5: {  	_ = 	snop  }
0x6: {  	_ = 	snop  }
0x7: {  	_ = 	snop  }
__scs_overlays_trampoline_lowered:
0x8: {  	[smem:$0x3FAB] =	sst s0  }
0x9: {  	[smem:$0x3FAC] =	sst s1  }
0xa: {  	[smem:$0x3FAD] =	sst s2  }
0xb: {  	[smem:$0x3FAE] =	sst s3  }
0xc: {  	[smem:$0x3FAF] =	sst s4  }
0xd: {  	[smem:$0x3FB0] =	sst s5  }
0xe: {  	[smem:$0x3FB1] =	sst s6  }
0xf: {  	[smem:$0x3FB2] =	sst s7  }
0x10: {  	[smem:$0x3FB3] =	sst s8  }
0x11: {  	[smem:$0x3FB4] =	sst s9;
	s0 =	simm.s32 @!p0 $0x0  }
0x12: {  	s1 =	sld [smem:$0x3F9A];
	s0 =	simm.s32 @p0 $0x1  }
0x13: {  	[smem:$0x3FB5] =	sst s0;
	s0 =	simm.s32 @!p1 $0x0  }
0x14: {  	s2 =	sld [smem:$0x3F99];
	s0 =	simm.s32 @p1 $0x1  }
0x15: {  	[smem:$0x3FB6] =	sst s0;
	s0 =	simm.s32 @!p2 $0x0  }
0x16: {  	s3 =	sld [smem:$0x3FDB];
	s0 =	simm.s32 @p2 $0x1  }
0x17: {  	s4 =	simm.s32 $0x1BF5;
	[smem:$0x3FB8] =	sst s0  }
0x18: {  	s0 =	sld [smem:$0x3F9B];
	_ =	swait.ge [sflag:s4], $0x0  }
0x19: {  	s7 =	sld [smem:$0x3F9C]  }
0x1a: {  	s8 =	sadd.s32 $0xFFFFE003, lr  }
0x1b: {  	s9 =	sadd.s32 $0xFFFFFEF7, lr;
	s5 =	simm.s32 $0xFFFFFFFF;
	p2 =	slt.u32 s8, $0xFFFFF086  }
0x1c: {  	p1 =	slt.u32 s9, $0xF7A;
	s5 =	simm.s32 @!p2 $0x0  }
0x1d: {  	s5 =	simm.s32 @p1 $0x1;
	p0 =	seq.s32 s7, s2  }
0x1e: {  	s7 =	smul.u32 @!p0 $0xF7A, s2;
	p2 =	seq.s32 @!p0 s5, $0x0  }
0x1f: {  	s9 =	smul.u32 $0xF7A, s1;
	s8 =	simm.s32 @!p0 $0x1BF5;
	p2 =	por !p2, p0  }
0x20: {  	[sflag:s8] =	ssyncset.s32 @!p0 $0xFFFFF086;
	s6 =	sadd.s32 @!p0 s3, s7;
	s7 =	simm.s32 @!p0 $0x108  }
0x21: {  	s3 =	sadd.s32 s3, s9;
	s6 =	sadd.s32 @!p0 $0x88, s6;
	s7 =	simm.s32 @p2 $0x1082  }
0x22: {  	[simem:s7], [sflag:s8] =	dma.local @!p0 [hbm:s6], $0xF7A  }
0x23: {  	s9 =	sor.u32 $0xD0000000, s2;
	s6 =	simm.s32 $0x108;
	_ =	swait.ge @!p0 [sflag:s8], $0x0  }
0x24: {  	s3 =	sadd.s32 $0x88, s3;
	s6 =	simm.s32 @!p1 $0x1082;
	[sflag:s4] =	ssyncset.s32 $0xFFFFF086  }
0x25: {  	[simem:s6], [sflag:s4] =	dma.local [hbm:s3], $0xF7A  }
0x26: {  	[smem:$0x3F9C] =	sst s1;
	(tag) =	ssettag s2;
	_ =	strace s9  }
0x27: {  	s1 =	sld [smem:$0x3FAC]  }
0x28: {  	s2 =	sld [smem:$0x3FAD]  }
0x29: {  	s4 =	sld [smem:$0x3FAF]  }
0x2a: {  	p0 =	seq.s32 s5, $0x0;
	s5 =	sld [smem:$0x3FB0]  }
0x2b: {  	s6 =	sld [smem:$0x3FB1]  }
0x2c: {  	s7 =	sld [smem:$0x3FB2]  }
0x2d: {  	s3 =	simm.s32 $0x108;
	s8 =	sld [smem:$0x3FB3]  }
0x2e: {  	s3 =	simm.s32 @!p0 $0x1082;
	s9 =	sld [smem:$0x3FB4]  }
0x2f: {  	lr =	sadd.s32 s0, s3;
	s0 =	sld [smem:$0x3FAB]  }
0x30: {  	s3 =	sld [smem:$0x3FAE]  }
0x31: {  	[smem:$0x3FB7] =	sst s10  }
0x32: {  	s10 =	sld [smem:$0x3FB5];
	_ =	sdelay $0x3  }
0x33: {  	p0 =	seq.s32 s10, $0x1;
	s10 =	sld [smem:$0x3FB7];
	_ =	sdelay $0x3  }
0x34: {  	[smem:$0x3FB7] =	sst s10  }
0x35: {  	s10 =	sld [smem:$0x3FB6];
	_ =	sdelay $0x3  }
0x36: {  	p1 =	seq.s32 s10, $0x1;
	s10 =	sld [smem:$0x3FB7];
	_ =	sdelay $0x3  }
0x37: {  	[smem:$0x3FB7] =	sst s10  }
0x38: {  	s10 =	sld [smem:$0x3FB8]  }
0x39: {  	_ = 	snop;
	(pc) =	sbr.ind lr, $3  }
0x3a: {  	_ = 	snop  }
0x3b: {  	_ = 	snop  }
0x3c: {  	p2 =	seq.s32 s10, $0x1;
	s10 =	sld [smem:$0x3FB7]  }
0x3d: {  	_ =	shalt  }
0x3e: {  	_ =	shalt  }
0x3f: {  	_ =	shalt  }
0x40: {  	_ =	shalt  }
0x41: {  	_ =	shalt  }
0x42: {  	_ =	shalt  }
0x43: {  	_ =	shalt  }
0x44: {  	_ =	shalt  }
0x45: {  	_ =	shalt  }
0x46: {  	_ =	shalt  }
0x47: {  	_ =	shalt  }
0x48: {  	_ =	shalt  }
0x49: {  	_ =	shalt  }
0x4a: {  	_ =	shalt  }
0x4b: {  	_ =	shalt  }
0x4c: {  	_ =	shalt  }
0x4d: {  	_ =	shalt  }
0x4e: {  	_ =	shalt  }
0x4f: {  	_ =	shalt  }
0x50: {  	_ =	shalt  }
0x51: {  	_ =	shalt  }
0x52: {  	_ =	shalt  }
0x53: {  	_ =	shalt  }
0x54: {  	_ =	shalt  }
0x55: {  	_ =	shalt  }
0x56: {  	_ =	shalt  }
0x57: {  	_ =	shalt  }
0x58: {  	_ =	shalt  }
0x59: {  	_ =	shalt  }
0x5a: {  	_ =	shalt  }
0x5b: {  	_ =	shalt  }
0x5c: {  	_ =	shalt  }
0x5d: {  	_ =	shalt  }
0x5e: {  	_ =	shalt  }
0x5f: {  	_ =	shalt  }
0x60: {  	_ =	shalt  }
0x61: {  	_ =	shalt  }
0x62: {  	_ =	shalt  }
0x63: {  	_ =	shalt  }
0x64: {  	_ =	shalt  }
0x65: {  	_ =	shalt  }
0x66: {  	_ =	shalt  }
0x67: {  	_ =	shalt  }
0x68: {  	_ =	shalt  }
0x69: {  	_ =	shalt  }
0x6a: {  	_ =	shalt  }
0x6b: {  	_ =	shalt  }
0x6c: {  	_ =	shalt  }
0x6d: {  	_ =	shalt  }
0x6e: {  	_ =	shalt  }
0x6f: {  	_ =	shalt  }
0x70: {  	_ =	shalt  }
0x71: {  	_ =	shalt  }
0x72: {  	_ =	shalt  }
0x73: {  	_ =	shalt  }
0x74: {  	_ =	shalt  }
0x75: {  	_ =	shalt  }
0x76: {  	_ =	shalt  }
0x77: {  	_ =	shalt  }
0x78: {  	_ =	shalt  }
0x79: {  	_ =	shalt  }
0x7a: {  	_ =	shalt  }
0x7b: {  	_ =	shalt  }
0x7c: {  	_ =	shalt  }
0x7d: {  	_ =	shalt  }
0x7e: {  	_ =	shalt  }
0x7f: {  	_ =	shalt  }
0x80: {  	_ =	shalt  }
0x81: {  	_ =	shalt  }
0x82: {  	_ =	shalt  }
0x83: {  	_ =	shalt  }
0x84: {  	_ =	shalt  }
0x85: {  	_ =	shalt  }
0x86: {  	_ =	shalt  }
0x87: {  	_ =	shalt  }
.Lfunc_end0:
.L_simem_size_0:
called_computation_lowered:
.L_overlay_start_0:
0x88: {  	s2 =	sld [smem:$0x3FD9]  }
0x89: {  	s3 =	sld [smem:$0x3FFE];
	_ =	sdelay $0x1  }
0x8a: {  	s1 =	srdreg.scid  }
0x8b: {  	s0 =	sand.u32 $0x1, s1  }
0x8c: {  	s17 =	sshll.u32 s0, $0xA;
	s2 =	sadd.s32 s3, s2  }
0x8d: {  	s2 =	sadd.s32 s2, s17  }
0x8e: {  	[smem:$0x3FC3] =	sst s2  }
0x8f: {  	_ = 	snop  }
0x90: {  	s2 =	sld [smem:$0x3FC9]  }
0x91: {  	s18 =	sld [smem:$0x3FD0];
	(tm) =	ssettm $0x1  }
0x92: {  	s4 =	sld [smem:$0x3FFB];
	_ =	sdelay $0x3  }
0x93: {  	_ =	strace s4  }
0x94: {  	s4 =	sld [smem:$0x3FFC];
	_ =	sdelay $0x3  }
0x95: {  	_ =	strace s4  }
0x96: {  	s4 =	sld [smem:$0x3FFD];
	_ =	sdelay $0x3  }
0x97: {  	_ =	strace s4  }
0x98: {  	_ =	strace $0x8FFFFFFF  }
0x99: {  	s19 =	sld [smem:$0x3FDB];
	_ =	sdelay $0x1  }
0x9a: {  	s5 =	simm.s32 $_scs_section_size  }
0x9b: {  	s6 =	simm.s32 $_size__tile_overlayer_lowered;
	s7 =	simm.s32 $_tile_overlayer_lowered  }
0x9c: {  	s22 =	simm.s32 $0x1BFF;
	s21 =	sshll.u32 s7, $0x1;
	s4 =	sadd.s32 s5, s19  }
0x9d: {  	s8 =	simm.s32 $0x0;
	s20 =	sshll.u32 s6, $0x1;
	s6 =	sadd.s32 s21, s4  }
0x9e: {  	[timem:s8], [sflag:s22] =	dma.local [hbm:s6], s20  }
0x9f: {  	_ =	swait.ge [sflag:s22], s20  }
0xa0: {  	s5 =	ssub.s32 $0x0, s20;
	[sflag:s22] =	ssyncset.done $0x0  }
0xa1: {  	[sflag:s22] =	ssyncadd.s32 s5;
	_ =	sdelay $0x1  }
0xa2: {  	s23 =	simm.s32 $0x1B8B  }
0xa3: {  	_ =	swait.ge [sflag:s23], $0x1  }
0xa4: {  	[sflag:s23] =	ssyncset.done $0x0  }
0xa5: {  	s25 =	simm.s32 $0x1B8E;
	s24 =	sld [smem:$0x3FFE];
	[sflag:s23] =	ssyncadd.s32 $0xFFFFFFFF  }
0xa6: {  	s26 =	simm.s32 $execute0_lowered;
	[smem:$0x3FD2] =	sst s25  }
0xa7: {  	s6 =	sshll.u32 s26, $0x1;
	_ =	strace $0x80000046;
	[dreg:$0x1] =	wrdreg $0xFFFFFFFF  }
0xa8: {  	s28 =	simm.s32 $_size_execute0_lowered;
	s4 =	sadd.s32 s4, s6;
	[dreg:$0x0] =	wrdreg $0x0  }
0xa9: {  	s6 =	sshll.u32 s28, $0x1;
	[dreg:$0x2] =	wrdreg s4  }
0xaa: {  	[dreg:$0x3] =	wrdreg s6  }
0xab: {  	[dreg:$0x4] =	wrdreg $0xC0  }
0xac: {  	_ =	task [dreg:s8], $0x5FFFF  }
0xad: {  	[dreg:$0x1] =	wrdreg $0xFFFFFFFF  }
0xae: {  	[dreg:$0x0] =	wrdreg $0x60  }
0xaf: {  	[dreg:$0x2] =	wrdreg s2  }
0xb0: {  	[dreg:$0x3] =	wrdreg s24  }
0xb1: {  	[dreg:$0x4] =	wrdreg s18  }
0xb2: {  	[dreg:$0x5] =	wrdreg $0x9  }
0xb3: {  	_ =	task.clear_ibuf [dreg:s8], $0x6FFFF;
	_ =	strace $0x90000046  }
0xb4: {  	s29 =	simm.s32 $0x9;
	_ =	strace $0x80000048  }
0xb5: {  	_ =	swait.ge [sflag:s29], $0x1  }
0xb6: {  	[sflag:s29] =	ssyncadd.s32 $0xFFFFFFFF  }
0xb7: {  	_ =	strace $0x90000048  }
0xb8: {  	_ =	sfence  }
0xb9: {  	s30 =	sld [smem:$0x0];
	_ =	sdelay $0x2  }
0xba: {  	s31 =	sshll.u32 s1, $0xD;
	s1 =	sshrl.u32 s1, $0x2  }
0xbb: {  	s3 =	sand.u32 $0x4000, s31;
	s1 =	sadd.s32 s1, s30  }
0xbc: {  	s0 =	sor.u32 s3, s0;
	s1 =	sshll.u32 s1, $0x11  }
0xbd: {  	s0 =	sor.u32 s1, s0  }
0xbe: {  	s0 =	sadd.s32 $0x8F2B, s0  }
0xbf: {  	[sflag:s0] =	ssyncadd.remote.s32 $0x1  }
0xc0: {  	_ =	sfence.sel $0xFFFF  }
0xc1: {  	[dreg:$0x0] =	wrdreg $0xFFFFFFFF;
	(pc) =	sbr.abs _section_cstart, $3  }
0xc2: {  	[dreg:$0x1] =	wrdreg $0xFFFFFFFF  }
0xc3: {  	_ =	task.clear_ibuf [dreg:s8], $0x2FFFF;
	_ =	strace $0x9FFFFFFF  }
0xc4: {  	(tm) =	ssettm $0x7FFFFFFF  }
0xc5: {  	_ =	shalt  }
tec
execute0_lowered:
.L_overlay_start_1:
0x0: {  	(tag) =	ssettag $0x1  }
0x1: {  	s6 =	rddreg [dreg:$0x0]  }
0x2: {  	s5 =	rddreg [dreg:$0x1]  }
0x3: {  	s7 =	rddreg [dreg:$0x2]  }
0x4: {  	s0 =	rddreg [dreg:$0x3]  }
0x5: {  	s2 =	simm.s32 $0x0;
	s3 =	srdreg.scid;
	s1 =	stileid.u32  }
0x6: {  	s12 =	simm.s32 $0x400;
	s13 =	simm.s32 $0x800;
	s14 =	simm.s32 $0x600  }
0x7: {  	s15 =	simm.s32 $0xA00;
	s16 =	simm.s32 $0x1;
	s17 =	simm.s32 $0x2  }
0x8: {  	s18 =	simm.s32 $0xC80;
	[smem:$0x7FF] =	sst s2;
	s8 =	sand.u32 $0x1, s3  }
0x9: {  	s3 =	sadd.s32 $0xE00, s5;
	s9 =	sshll.u32 s1, $0xA;
	s4 =	sadd.s32 $0x1F800, s5  }
0xa: {  	s5 =	sadd.s32 $0xC00, s5;
	s10 =	sshll.u32 s8, $0x9;
	s8 =	ssub.s32 $0x2, s8  }
0xb: {  	_ =	strace $0x80000047;
	s9 =	sor.u32 s10, s9;
	s31 =	sshrl.u32 s8, $0x1  }
0xc: {  	s10 =	simm.s32 $0xC00;
	s11 =	sshrl.u32 s9, $0x2;
	s9 =	sshrl.u32 s9, $0x3  }
0xd: {  	s8 =	ssub.s32 s8, s31;
	s6 =	sadd.s32 s6, s11;
	s7 =	sadd.s32 s7, s9  }
0xe: {  	s8 =	smax.u32 s8, $0x1;
	s9 =	simm.s32 $0x3;
	s11 =	simm.s32 $0x200  }
.LBB2_1:
0xf: {  	[tilespmem:s2], [sflag:$0x3] =	stream.linear.gather [hbm4b:s6+s2], $0x400, $0x38;
	[tilespmem:$0xE80] =	vst v63  }
0x10: {  	_ =	swait.ge [sflag:s9], $0x400  }
0x11: {  	[sflag:s9] =	ssyncset.done $0x0  }
0x12: {  	[sflag:s9] =	ssyncadd.s32 $0xFFFFFC00  }
0x13: {  	[tilespmem:s10], [sflag:$0x3] =	stream.linear.gather [hbm4b:s5+s2], $0x80, $0x38;
	[tilespmem:$0xE80] =	vst v63  }
0x14: {  	_ =	swait.ge [sflag:s9], $0x80  }
0x15: {  	[sflag:s9] =	ssyncset.done $0x0  }
0x16: {  	[sflag:s9] =	ssyncadd.s32 $0xFFFFFF80  }
0x17: {  	v0 =	vld [tilespmem:$0x0]  }
0x18: {  	v1 =	vld [tilespmem:$0x80]  }
0x19: {  	v2 =	vld [tilespmem:$0x10]  }
0x1a: {  	v3 =	vld [tilespmem:$0x90]  }
0x1b: {  	v4 =	vld [tilespmem:$0x20]  }
0x1c: {  	v11 =	vld [tilespmem:$0xA0];
	[tilespmem:$0x400] =	vst v0  }
0x1d: {  	v12 =	vld [tilespmem:$0x30];
	[tilespmem:$0x600] =	vst v1  }
0x1e: {  	v13 =	vld [tilespmem:$0xB0];
	[tilespmem:$0x410] =	vst v2  }
0x1f: {  	v14 =	vld [tilespmem:$0x40];
	[tilespmem:$0x610] =	vst v3  }
0x20: {  	v15 =	vld [tilespmem:$0xC0];
	[tilespmem:$0x420] =	vst v4  }
0x21: {  	v16 =	vld [tilespmem:$0x50];
	[tilespmem:$0x620] =	vst v11  }
0x22: {  	v17 =	vld [tilespmem:$0xD0];
	[tilespmem:$0x430] =	vst v12  }
0x23: {  	v18 =	vld [tilespmem:$0x60];
	[tilespmem:$0x630] =	vst v13  }
0x24: {  	v19 =	vld [tilespmem:$0xE0];
	[tilespmem:$0x440] =	vst v14  }
0x25: {  	v20 =	vld [tilespmem:$0x70];
	[tilespmem:$0x640] =	vst v15  }
0x26: {  	v21 =	vld [tilespmem:$0xF0];
	[tilespmem:$0x450] =	vst v16  }
0x27: {  	v22 =	vld [tilespmem:$0x100];
	[tilespmem:$0x650] =	vst v17  }
0x28: {  	v23 =	vld [tilespmem:$0x180];
	[tilespmem:$0x460] =	vst v18  }
0x29: {  	v24 =	vld [tilespmem:$0x110];
	[tilespmem:$0x660] =	vst v19  }
0x2a: {  	v25 =	vld [tilespmem:$0x190];
	[tilespmem:$0x470] =	vst v20  }
0x2b: {  	v26 =	vld [tilespmem:$0x120];
	[tilespmem:$0x670] =	vst v21  }
0x2c: {  	v27 =	vld [tilespmem:$0x1A0];
	[tilespmem:$0x480] =	vst v22  }
0x2d: {  	v28 =	vld [tilespmem:$0x130];
	[tilespmem:$0x680] =	vst v23  }
0x2e: {  	v29 =	vld [tilespmem:$0x1B0];
	[tilespmem:$0x490] =	vst v24  }
0x2f: {  	v30 =	vld [tilespmem:$0x140];
	[tilespmem:$0x690] =	vst v25  }
0x30: {  	v31 =	vld [tilespmem:$0x1C0];
	[tilespmem:$0x4A0] =	vst v26  }
0x31: {  	v32 =	vld [tilespmem:$0x150];
	[tilespmem:$0x6A0] =	vst v27  }
0x32: {  	v33 =	vld [tilespmem:$0x1D0];
	[tilespmem:$0x4B0] =	vst v28  }
0x33: {  	v34 =	vld [tilespmem:$0x160];
	[tilespmem:$0x6B0] =	vst v29  }
0x34: {  	v35 =	vld [tilespmem:$0x1E0];
	[tilespmem:$0x4C0] =	vst v30  }
0x35: {  	v36 =	vld [tilespmem:$0x170];
	[tilespmem:$0x6C0] =	vst v31  }
0x36: {  	v37 =	vld [tilespmem:$0x1F0];
	[tilespmem:$0x4D0] =	vst v32  }
0x37: {  	v38 =	vld [tilespmem:$0x200];
	[tilespmem:$0x6D0] =	vst v33  }
0x38: {  	v39 =	vld [tilespmem:$0x280];
	[tilespmem:$0x4E0] =	vst v34  }
0x39: {  	v40 =	vld [tilespmem:$0x210];
	[tilespmem:$0x6E0] =	vst v35  }
0x3a: {  	v41 =	vld [tilespmem:$0x290];
	[tilespmem:$0x4F0] =	vst v36  }
0x3b: {  	v42 =	vld [tilespmem:$0x220];
	[tilespmem:$0x6F0] =	vst v37  }
0x3c: {  	v43 =	vld [tilespmem:$0x2A0];
	[tilespmem:$0x500] =	vst v38  }
0x3d: {  	v44 =	vld [tilespmem:$0x230];
	[tilespmem:$0x700] =	vst v39  }
0x3e: {  	v45 =	vld [tilespmem:$0x2B0];
	[tilespmem:$0x510] =	vst v40  }
0x3f: {  	v46 =	vld [tilespmem:$0x240];
	[tilespmem:$0x710] =	vst v41  }
0x40: {  	v47 =	vld [tilespmem:$0x2C0];
	[tilespmem:$0x520] =	vst v42  }
0x41: {  	v48 =	vld [tilespmem:$0x250];
	[tilespmem:$0x720] =	vst v43  }
0x42: {  	v49 =	vld [tilespmem:$0x2D0];
	[tilespmem:$0x530] =	vst v44  }
0x43: {  	v50 =	vld [tilespmem:$0x260];
	[tilespmem:$0x730] =	vst v45  }
0x44: {  	v51 =	vld [tilespmem:$0x2E0];
	[tilespmem:$0x540] =	vst v46  }
0x45: {  	v52 =	vld [tilespmem:$0x270];
	[tilespmem:$0x740] =	vst v47  }
0x46: {  	v53 =	vld [tilespmem:$0x2F0];
	[tilespmem:$0x550] =	vst v48  }
0x47: {  	v54 =	vld [tilespmem:$0x300];
	[tilespmem:$0x750] =	vst v49  }
0x48: {  	v55 =	vld [tilespmem:$0x380];
	[tilespmem:$0x560] =	vst v50  }
0x49: {  	v56 =	vld [tilespmem:$0x310];
	[tilespmem:$0x760] =	vst v51  }
0x4a: {  	v57 =	vld [tilespmem:$0x390];
	[tilespmem:$0x570] =	vst v52  }
0x4b: {  	v58 =	vld [tilespmem:$0x320];
	[tilespmem:$0x770] =	vst v53  }
0x4c: {  	v59 =	vld [tilespmem:$0x3A0];
	[tilespmem:$0x580] =	vst v54  }
0x4d: {  	v60 =	vld [tilespmem:$0x330];
	[tilespmem:$0x780] =	vst v55  }
0x4e: {  	v61 =	vld [tilespmem:$0x3B0];
	[tilespmem:$0x590] =	vst v56  }
0x4f: {  	v62 =	vld [tilespmem:$0x340];
	[tilespmem:$0x790] =	vst v57  }
0x50: {  	v63 =	vld [tilespmem:$0x3C0];
	[tilespmem:$0x5A0] =	vst v58  }
0x51: {  	v8 =	vld [tilespmem:$0x350];
	[tilespmem:$0x7A0] =	vst v59  }
0x52: {  	v9 =	vld [tilespmem:$0x3D0];
	[tilespmem:$0x5B0] =	vst v60  }
0x53: {  	v10 =	vld [tilespmem:$0x360];
	[tilespmem:$0x7B0] =	vst v61  }
0x54: {  	[tilespmem:$0x5C0] =	vst v62;
	v11 =	vld [tilespmem:$0x3E0]  }
0x55: {  	[tilespmem:$0x7C0] =	vst v63;
	v12 =	vld [tilespmem:$0x370]  }
0x56: {  	[tilespmem:$0x5D0] =	vst v8;
	v13 =	vld [tilespmem:$0x3F0]  }
0x57: {  	[tilespmem:$0x7D0] =	vst v9  }
0x58: {  	[tilespmem:$0x5E0] =	vst v10  }
0x59: {  	[tilespmem:$0x7E0] =	vst v11  }
0x5a: {  	[tilespmem:$0x5F0] =	vst v12  }
0x5b: {  	[tilespmem:$0x7F0] =	vst v13  }
0x5c: {  	[tilespmem:s13], [sflag:$0x1] =	stream.indirect.gather [hbm4b:s3+s11], $0x1, s12, s11, $0xb8;
	[tilespmem:$0xE80] =	vst v63  }
0x5d: {  	_ = 	snop  }
0x5e: {  	[tilespmem:s15], [sflag:$0x2] =	stream.indirect.gather [hbm4b:s4+s11], $0x1, s14, s11, $0xb8;
	[tilespmem:$0xE80] =	vst v63  }
0x5f: {  	_ =	swait.ge [sflag:s16], $0x200  }
0x60: {  	[sflag:s16] =	ssyncset.done $0x0  }
0x61: {  	[sflag:s16] =	ssyncadd.s32 $0xFFFFFE00  }
0x62: {  	_ =	swait.ge [sflag:s17], $0x200  }
0x63: {  	[sflag:s17] =	ssyncset.done $0x0  }
0x64: {  	[sflag:s17] =	ssyncadd.s32 $0xFFFFFE00  }
0x65: {  	v14 =	vld [tilespmem:$0x800]  }
0x66: {  	v15 =	vld [tilespmem:$0xA00];
	_ =	sdelay $0x1  }
0x67: {  	v0 =	vld [tilespmem:$0xC00];
	_ =	sdelay $0x2  }
0x68: {  	v1 =	vadd.f32 v15, v14;
	_ =	sdelay $0x1  }
0x69: {  	v1 =	vadd.f32 v1, v0;
	_ =	sdelay $0x1  }
0x6a: {  	v1 =	vsub.f32 $0.0e+00, v1;
	_ =	sdelay $0x1  }
0x6b: {  	v1 =	vmul.f32 $1.442695020e+00, v1  }
0x6c: {  	v16 =	vld [tilespmem:$0x810]  }
0x6d: {  	v17 =	vld [tilespmem:$0xA10];
	(erf) = vpow2.f32 v1;
	_ =	sdelay $0x4  }
0x6e: {  	v1 =	vadd.f32 v17, v16;
	_ =	sdelay $0x1  }
0x6f: {  	v1 =	vadd.f32 v1, v0;
	_ =	sdelay $0x1  }
0x70: {  	v1 =	vsub.f32 $0.0e+00, v1;
	v18 =	vpop (erf)  }
0x71: {  	v2 =	vadd.f32 $1.000000000e+00, v18  }
0x72: {  	v19 =	vld [tilespmem:$0x820];
	v1 =	vmul.f32 $1.442695020e+00, v1  }
0x73: {  	v20 =	vld [tilespmem:$0xA20];
	(erf) = vrcp.f32 v2  }
0x74: {  	(erf) = vpow2.f32 v1;
	_ =	sdelay $0x3  }
0x75: {  	v1 =	vadd.f32 v20, v19;
	_ =	sdelay $0x2  }
0x76: {  	v2 =	vadd.f32 v1, v0  }
0x77: {  	v1 =	vpop (erf)  }
0x78: {  	v2 =	vsub.f32 $0.0e+00, v2;
	v21 =	vpop (erf)  }
0x79: {  	v3 =	vadd.f32 $1.000000000e+00, v21  }
0x7a: {  	v22 =	vld [tilespmem:$0x830];
	v2 =	vmul.f32 $1.442695020e+00, v2  }
0x7b: {  	v23 =	vld [tilespmem:$0xA30];
	(erf) = vrcp.f32 v3  }
0x7c: {  	(erf) = vpow2.f32 v2;
	_ =	sdelay $0x3  }
0x7d: {  	v2 =	vadd.f32 v23, v22;
	_ =	sdelay $0x2  }
0x7e: {  	v3 =	vadd.f32 v2, v0  }
0x7f: {  	v2 =	vpop (erf)  }
0x80: {  	v3 =	vsub.f32 $0.0e+00, v3;
	v24 =	vpop (erf)  }
0x81: {  	v4 =	vadd.f32 $1.000000000e+00, v24  }
0x82: {  	v25 =	vld [tilespmem:$0x840];
	v3 =	vmul.f32 $1.442695020e+00, v3  }
0x83: {  	v26 =	vld [tilespmem:$0xA40];
	(erf) = vrcp.f32 v4  }
0x84: {  	(erf) = vpow2.f32 v3;
	_ =	sdelay $0x3  }
0x85: {  	v3 =	vadd.f32 v26, v25;
	_ =	sdelay $0x2  }
0x86: {  	v4 =	vadd.f32 v3, v0  }
0x87: {  	v3 =	vpop (erf)  }
0x88: {  	v4 =	vsub.f32 $0.0e+00, v4;
	v5 =	vpop (erf)  }
0x89: {  	v5 =	vadd.f32 $1.000000000e+00, v5  }
0x8a: {  	v27 =	vld [tilespmem:$0x850];
	v4 =	vmul.f32 $1.442695020e+00, v4  }
0x8b: {  	v28 =	vld [tilespmem:$0xA50];
	(erf) = vrcp.f32 v5  }
0x8c: {  	(erf) = vpow2.f32 v4;
	_ =	sdelay $0x3  }
0x8d: {  	v4 =	vadd.f32 v28, v27;
	_ =	sdelay $0x2  }
0x8e: {  	v5 =	vadd.f32 v4, v0  }
0x8f: {  	v4 =	vpop (erf)  }
0x90: {  	v5 =	vsub.f32 $0.0e+00, v5;
	v6 =	vpop (erf)  }
0x91: {  	v6 =	vadd.f32 $1.000000000e+00, v6  }
0x92: {  	v29 =	vld [tilespmem:$0x860];
	v5 =	vmul.f32 $1.442695020e+00, v5  }
0x93: {  	v30 =	vld [tilespmem:$0xA60];
	(erf) = vrcp.f32 v6  }
0x94: {  	(erf) = vpow2.f32 v5;
	_ =	sdelay $0x3  }
0x95: {  	v5 =	vadd.f32 v30, v29;
	_ =	sdelay $0x2  }
0x96: {  	v6 =	vadd.f32 v5, v0  }
0x97: {  	v5 =	vpop (erf)  }
0x98: {  	v6 =	vsub.f32 $0.0e+00, v6;
	v7 =	vpop (erf)  }
0x99: {  	v7 =	vadd.f32 $1.000000000e+00, v7  }
0x9a: {  	v31 =	vld [tilespmem:$0x870];
	v6 =	vmul.f32 $1.442695020e+00, v6  }
0x9b: {  	v32 =	vld [tilespmem:$0xA70];
	(erf) = vrcp.f32 v7  }
0x9c: {  	(erf) = vpow2.f32 v6;
	_ =	sdelay $0x3  }
0x9d: {  	v6 =	vadd.f32 v32, v31;
	_ =	sdelay $0x2  }
0x9e: {  	v7 =	vadd.f32 v6, v0  }
0x9f: {  	v6 =	vpop (erf)  }
0xa0: {  	v7 =	vsub.f32 $0.0e+00, v7;
	v8 =	vpop (erf)  }
0xa1: {  	v8 =	vadd.f32 $1.000000000e+00, v8  }
0xa2: {  	v33 =	vld [tilespmem:$0x880];
	v7 =	vmul.f32 $1.442695020e+00, v7  }
0xa3: {  	v34 =	vld [tilespmem:$0xA80];
	(erf) = vrcp.f32 v8  }
0xa4: {  	(erf) = vpow2.f32 v7;
	_ =	sdelay $0x3  }
0xa5: {  	v7 =	vadd.f32 v34, v33;
	_ =	sdelay $0x2  }
0xa6: {  	v8 =	vadd.f32 v7, v0  }
0xa7: {  	v7 =	vpop (erf)  }
0xa8: {  	v8 =	vsub.f32 $0.0e+00, v8;
	v9 =	vpop (erf)  }
0xa9: {  	v9 =	vadd.f32 $1.000000000e+00, v9  }
0xaa: {  	v35 =	vld [tilespmem:$0x890];
	v8 =	vmul.f32 $1.442695020e+00, v8  }
0xab: {  	v36 =	vld [tilespmem:$0xA90];
	(erf) = vrcp.f32 v9  }
0xac: {  	(erf) = vpow2.f32 v8;
	_ =	sdelay $0x3  }
0xad: {  	v8 =	vadd.f32 v36, v35;
	_ =	sdelay $0x2  }
0xae: {  	v9 =	vadd.f32 v8, v0  }
0xaf: {  	v8 =	vpop (erf)  }
0xb0: {  	v9 =	vsub.f32 $0.0e+00, v9;
	v10 =	vpop (erf)  }
0xb1: {  	v10 =	vadd.f32 $1.000000000e+00, v10  }
0xb2: {  	v37 =	vld [tilespmem:$0x8A0];
	v9 =	vmul.f32 $1.442695020e+00, v9  }
0xb3: {  	v38 =	vld [tilespmem:$0xAA0];
	(erf) = vrcp.f32 v10  }
0xb4: {  	(erf) = vpow2.f32 v9;
	_ =	sdelay $0x3  }
0xb5: {  	v9 =	vadd.f32 v38, v37;
	_ =	sdelay $0x2  }
0xb6: {  	v10 =	vadd.f32 v9, v0  }
0xb7: {  	v9 =	vpop (erf)  }
0xb8: {  	v10 =	vsub.f32 $0.0e+00, v10;
	v11 =	vpop (erf)  }
0xb9: {  	v11 =	vadd.f32 $1.000000000e+00, v11  }
0xba: {  	v39 =	vld [tilespmem:$0x8B0];
	v10 =	vmul.f32 $1.442695020e+00, v10  }
0xbb: {  	v40 =	vld [tilespmem:$0xAB0];
	(erf) = vrcp.f32 v11  }
0xbc: {  	(erf) = vpow2.f32 v10;
	_ =	sdelay $0x3  }
0xbd: {  	v10 =	vadd.f32 v40, v39;
	_ =	sdelay $0x2  }
0xbe: {  	v11 =	vadd.f32 v10, v0  }
0xbf: {  	v10 =	vpop (erf)  }
0xc0: {  	v11 =	vsub.f32 $0.0e+00, v11;
	v12 =	vpop (erf)  }
0xc1: {  	v12 =	vadd.f32 $1.000000000e+00, v12  }
0xc2: {  	v41 =	vld [tilespmem:$0x8C0];
	v11 =	vmul.f32 $1.442695020e+00, v11  }
0xc3: {  	v42 =	vld [tilespmem:$0xAC0];
	(erf) = vrcp.f32 v12  }
0xc4: {  	(erf) = vpow2.f32 v11;
	_ =	sdelay $0x3  }
0xc5: {  	v11 =	vadd.f32 v42, v41;
	_ =	sdelay $0x2  }
0xc6: {  	v12 =	vadd.f32 v11, v0  }
0xc7: {  	v11 =	vpop (erf)  }
0xc8: {  	v12 =	vsub.f32 $0.0e+00, v12;
	v13 =	vpop (erf)  }
0xc9: {  	v13 =	vadd.f32 $1.000000000e+00, v13  }
0xca: {  	v43 =	vld [tilespmem:$0x8D0];
	v12 =	vmul.f32 $1.442695020e+00, v12  }
0xcb: {  	v44 =	vld [tilespmem:$0xAD0];
	(erf) = vrcp.f32 v13  }
0xcc: {  	(erf) = vpow2.f32 v12;
	_ =	sdelay $0x3  }
0xcd: {  	v12 =	vadd.f32 v44, v43;
	_ =	sdelay $0x2  }
0xce: {  	v13 =	vadd.f32 v12, v0  }
0xcf: {  	v12 =	vpop (erf)  }
0xd0: {  	v13 =	vsub.f32 $0.0e+00, v13;
	v14 =	vpop (erf)  }
0xd1: {  	v14 =	vadd.f32 $1.000000000e+00, v14  }
0xd2: {  	v45 =	vld [tilespmem:$0x8E0];
	v13 =	vmul.f32 $1.442695020e+00, v13  }
0xd3: {  	v46 =	vld [tilespmem:$0xAE0];
	(erf) = vrcp.f32 v14  }
0xd4: {  	(erf) = vpow2.f32 v13;
	_ =	sdelay $0x3  }
0xd5: {  	v13 =	vadd.f32 v46, v45;
	_ =	sdelay $0x2  }
0xd6: {  	v14 =	vadd.f32 v13, v0  }
0xd7: {  	v13 =	vpop (erf)  }
0xd8: {  	v14 =	vsub.f32 $0.0e+00, v14;
	v15 =	vpop (erf)  }
0xd9: {  	v15 =	vadd.f32 $1.000000000e+00, v15  }
0xda: {  	v47 =	vld [tilespmem:$0x8F0];
	v14 =	vmul.f32 $1.442695020e+00, v14  }
0xdb: {  	v48 =	vld [tilespmem:$0xAF0];
	(erf) = vrcp.f32 v15  }
0xdc: {  	(erf) = vpow2.f32 v14;
	_ =	sdelay $0x3  }
0xdd: {  	v14 =	vadd.f32 v48, v47;
	_ =	sdelay $0x2  }
0xde: {  	v15 =	vadd.f32 v14, v0  }
0xdf: {  	v14 =	vpop (erf)  }
0xe0: {  	v15 =	vsub.f32 $0.0e+00, v15;
	v16 =	vpop (erf)  }
0xe1: {  	v16 =	vadd.f32 $1.000000000e+00, v16  }
0xe2: {  	v49 =	vld [tilespmem:$0x900];
	v15 =	vmul.f32 $1.442695020e+00, v15  }
0xe3: {  	v50 =	vld [tilespmem:$0xB00];
	(erf) = vrcp.f32 v16  }
0xe4: {  	(erf) = vpow2.f32 v15;
	_ =	sdelay $0x3  }
0xe5: {  	v15 =	vadd.f32 v50, v49;
	_ =	sdelay $0x2  }
0xe6: {  	v16 =	vadd.f32 v15, v0  }
0xe7: {  	v15 =	vpop (erf)  }
0xe8: {  	v16 =	vsub.f32 $0.0e+00, v16;
	v17 =	vpop (erf)  }
0xe9: {  	v17 =	vadd.f32 $1.000000000e+00, v17  }
0xea: {  	v51 =	vld [tilespmem:$0x910];
	v16 =	vmul.f32 $1.442695020e+00, v16  }
0xeb: {  	v52 =	vld [tilespmem:$0xB10];
	(erf) = vrcp.f32 v17  }
0xec: {  	(erf) = vpow2.f32 v16;
	_ =	sdelay $0x3  }
0xed: {  	v16 =	vadd.f32 v52, v51;
	_ =	sdelay $0x2  }
0xee: {  	v17 =	vadd.f32 v16, v0  }
0xef: {  	v16 =	vpop (erf)  }
0xf0: {  	v17 =	vsub.f32 $0.0e+00, v17;
	v18 =	vpop (erf)  }
0xf1: {  	v18 =	vadd.f32 $1.000000000e+00, v18  }
0xf2: {  	v53 =	vld [tilespmem:$0x920];
	v17 =	vmul.f32 $1.442695020e+00, v17  }
0xf3: {  	v54 =	vld [tilespmem:$0xB20];
	(erf) = vrcp.f32 v18  }
0xf4: {  	(erf) = vpow2.f32 v17;
	_ =	sdelay $0x3  }
0xf5: {  	v17 =	vadd.f32 v54, v53;
	_ =	sdelay $0x2  }
0xf6: {  	v18 =	vadd.f32 v17, v0  }
0xf7: {  	v17 =	vpop (erf)  }
0xf8: {  	v18 =	vsub.f32 $0.0e+00, v18;
	v19 =	vpop (erf)  }
0xf9: {  	v19 =	vadd.f32 $1.000000000e+00, v19  }
0xfa: {  	v55 =	vld [tilespmem:$0x930];
	v18 =	vmul.f32 $1.442695020e+00, v18  }
0xfb: {  	v56 =	vld [tilespmem:$0xB30];
	(erf) = vrcp.f32 v19  }
0xfc: {  	(erf) = vpow2.f32 v18;
	_ =	sdelay $0x3  }
0xfd: {  	v18 =	vadd.f32 v56, v55;
	_ =	sdelay $0x2  }
0xfe: {  	v19 =	vadd.f32 v18, v0  }
0xff: {  	v18 =	vpop (erf)  }
0x100: {  	v19 =	vsub.f32 $0.0e+00, v19;
	v20 =	vpop (erf)  }
0x101: {  	v20 =	vadd.f32 $1.000000000e+00, v20  }
0x102: {  	v57 =	vld [tilespmem:$0x940];
	v19 =	vmul.f32 $1.442695020e+00, v19  }
0x103: {  	v58 =	vld [tilespmem:$0xB40];
	(erf) = vrcp.f32 v20  }
0x104: {  	(erf) = vpow2.f32 v19;
	_ =	sdelay $0x3  }
0x105: {  	v19 =	vadd.f32 v58, v57;
	_ =	sdelay $0x2  }
0x106: {  	v20 =	vadd.f32 v19, v0  }
0x107: {  	v19 =	vpop (erf)  }
0x108: {  	v20 =	vsub.f32 $0.0e+00, v20;
	v21 =	vpop (erf)  }
0x109: {  	v21 =	vadd.f32 $1.000000000e+00, v21  }
0x10a: {  	v59 =	vld [tilespmem:$0x950];
	v20 =	vmul.f32 $1.442695020e+00, v20  }
0x10b: {  	v60 =	vld [tilespmem:$0xB50];
	(erf) = vrcp.f32 v21  }
0x10c: {  	(erf) = vpow2.f32 v20;
	_ =	sdelay $0x3  }
0x10d: {  	v20 =	vadd.f32 v60, v59;
	_ =	sdelay $0x2  }
0x10e: {  	v21 =	vadd.f32 v20, v0  }
0x10f: {  	v20 =	vpop (erf)  }
0x110: {  	v21 =	vsub.f32 $0.0e+00, v21;
	v22 =	vpop (erf)  }
0x111: {  	v22 =	vadd.f32 $1.000000000e+00, v22  }
0x112: {  	v21 =	vmul.f32 $1.442695020e+00, v21  }
0x113: {  	v61 =	vld [tilespmem:$0x960];
	(erf) = vrcp.f32 v22  }
0x114: {  	v62 =	vld [tilespmem:$0xB60];
	(erf) = vpow2.f32 v21;
	_ =	sdelay $0x4  }
0x115: {  	v21 =	vadd.f32 v62, v61;
	_ =	sdelay $0x1  }
0x116: {  	v22 =	vadd.f32 v21, v0  }
0x117: {  	v63 =	vpop (erf)  }
0x118: {  	v22 =	vsub.f32 $0.0e+00, v22;
	v23 =	vpop (erf)  }
0x119: {  	v23 =	vadd.f32 $1.000000000e+00, v23  }
0x11a: {  	v22 =	vmul.f32 $1.442695020e+00, v22  }
0x11b: {  	v32 =	vld [tilespmem:$0x970];
	(erf) = vrcp.f32 v23  }
0x11c: {  	v33 =	vld [tilespmem:$0xB70];
	(erf) = vpow2.f32 v22;
	_ =	sdelay $0x4  }
0x11d: {  	v22 =	vadd.f32 v33, v32;
	_ =	sdelay $0x1  }
0x11e: {  	v22 =	vadd.f32 v22, v0  }
0x11f: {  	v34 =	vpop (erf)  }
0x120: {  	v22 =	vsub.f32 $0.0e+00, v22;
	v24 =	vpop (erf)  }
0x121: {  	v24 =	vadd.f32 $1.000000000e+00, v24  }
0x122: {  	v22 =	vmul.f32 $1.442695020e+00, v22  }
0x123: {  	v35 =	vld [tilespmem:$0x980];
	(erf) = vrcp.f32 v24  }
0x124: {  	v36 =	vld [tilespmem:$0xB80];
	(erf) = vpow2.f32 v22;
	_ =	sdelay $0x4  }
0x125: {  	v22 =	vadd.f32 v36, v35;
	_ =	sdelay $0x1  }
0x126: {  	v22 =	vadd.f32 v22, v0  }
0x127: {  	v37 =	vpop (erf)  }
0x128: {  	v22 =	vsub.f32 $0.0e+00, v22;
	v25 =	vpop (erf)  }
0x129: {  	v25 =	vadd.f32 $1.000000000e+00, v25  }
0x12a: {  	v22 =	vmul.f32 $1.442695020e+00, v22  }
0x12b: {  	v38 =	vld [tilespmem:$0x990];
	(erf) = vrcp.f32 v25  }
0x12c: {  	v39 =	vld [tilespmem:$0xB90];
	(erf) = vpow2.f32 v22;
	_ =	sdelay $0x4  }
0x12d: {  	v22 =	vadd.f32 v39, v38;
	_ =	sdelay $0x1  }
0x12e: {  	v22 =	vadd.f32 v22, v0  }
0x12f: {  	v40 =	vpop (erf)  }
0x130: {  	v22 =	vsub.f32 $0.0e+00, v22;
	v26 =	vpop (erf)  }
0x131: {  	v26 =	vadd.f32 $1.000000000e+00, v26  }
0x132: {  	v22 =	vmul.f32 $1.442695020e+00, v22  }
0x133: {  	v41 =	vld [tilespmem:$0x9A0];
	(erf) = vrcp.f32 v26  }
0x134: {  	v42 =	vld [tilespmem:$0xBA0];
	(erf) = vpow2.f32 v22;
	_ =	sdelay $0x4  }
0x135: {  	v22 =	vadd.f32 v42, v41;
	_ =	sdelay $0x1  }
0x136: {  	v22 =	vadd.f32 v22, v0  }
0x137: {  	v43 =	vpop (erf)  }
0x138: {  	v22 =	vsub.f32 $0.0e+00, v22;
	v27 =	vpop (erf)  }
0x139: {  	v27 =	vadd.f32 $1.000000000e+00, v27  }
0x13a: {  	v22 =	vmul.f32 $1.442695020e+00, v22  }
0x13b: {  	v44 =	vld [tilespmem:$0x9B0];
	(erf) = vrcp.f32 v27  }
0x13c: {  	v45 =	vld [tilespmem:$0xBB0];
	(erf) = vpow2.f32 v22;
	_ =	sdelay $0x4  }
0x13d: {  	v22 =	vadd.f32 v45, v44;
	_ =	sdelay $0x1  }
0x13e: {  	v22 =	vadd.f32 v22, v0  }
0x13f: {  	v46 =	vpop (erf)  }
0x140: {  	v22 =	vsub.f32 $0.0e+00, v22;
	v28 =	vpop (erf)  }
0x141: {  	v28 =	vadd.f32 $1.000000000e+00, v28  }
0x142: {  	v22 =	vmul.f32 $1.442695020e+00, v22  }
0x143: {  	v47 =	vld [tilespmem:$0x9C0];
	(erf) = vrcp.f32 v28  }
0x144: {  	v48 =	vld [tilespmem:$0xBC0];
	(erf) = vpow2.f32 v22;
	_ =	sdelay $0x4  }
0x145: {  	v22 =	vadd.f32 v48, v47;
	_ =	sdelay $0x1  }
0x146: {  	v22 =	vadd.f32 v22, v0  }
0x147: {  	v49 =	vpop (erf)  }
0x148: {  	v22 =	vsub.f32 $0.0e+00, v22;
	v29 =	vpop (erf)  }
0x149: {  	v29 =	vadd.f32 $1.000000000e+00, v29  }
0x14a: {  	v22 =	vmul.f32 $1.442695020e+00, v22  }
0x14b: {  	v50 =	vld [tilespmem:$0x9D0];
	(erf) = vrcp.f32 v29  }
0x14c: {  	v51 =	vld [tilespmem:$0xBD0];
	(erf) = vpow2.f32 v22;
	_ =	sdelay $0x4  }
0x14d: {  	v22 =	vadd.f32 v51, v50;
	_ =	sdelay $0x1  }
0x14e: {  	v22 =	vadd.f32 v22, v0  }
0x14f: {  	v52 =	vpop (erf)  }
0x150: {  	v22 =	vsub.f32 $0.0e+00, v22;
	v30 =	vpop (erf)  }
0x151: {  	v30 =	vadd.f32 $1.000000000e+00, v30  }
0x152: {  	v22 =	vmul.f32 $1.442695020e+00, v22  }
0x153: {  	v53 =	vld [tilespmem:$0x9E0];
	(erf) = vrcp.f32 v30  }
0x154: {  	v54 =	vld [tilespmem:$0xBE0];
	(erf) = vpow2.f32 v22;
	_ =	sdelay $0x4  }
0x155: {  	v22 =	vadd.f32 v54, v53;
	_ =	sdelay $0x1  }
0x156: {  	v22 =	vadd.f32 v22, v0  }
0x157: {  	v55 =	vpop (erf)  }
0x158: {  	v22 =	vsub.f32 $0.0e+00, v22;
	v31 =	vpop (erf)  }
0x159: {  	v31 =	vadd.f32 $1.000000000e+00, v31  }
0x15a: {  	v22 =	vmul.f32 $1.442695020e+00, v22  }
0x15b: {  	v56 =	vld [tilespmem:$0x9F0];
	(erf) = vrcp.f32 v31  }
0x15c: {  	v57 =	vld [tilespmem:$0xBF0];
	(erf) = vpow2.f32 v22;
	_ =	sdelay $0x3  }
0x15d: {  	[tilespmem:$0xC80] =	vst v1  }
0x15e: {  	[tilespmem:$0xC90] =	vst v2;
	v58 =	vadd.f32 v57, v56  }
0x15f: {  	[tilespmem:$0xCA0] =	vst v3  }
0x160: {  	[tilespmem:$0xCB0] =	vst v4;
	v0 =	vadd.f32 v58, v0  }
0x161: {  	[tilespmem:$0xCC0] =	vst v5;
	v59 =	vpop (erf)  }
0x162: {  	[tilespmem:$0xCD0] =	vst v6;
	v0 =	vsub.f32 $0.0e+00, v0;
	v60 =	vpop (erf)  }
0x163: {  	[tilespmem:$0xCE0] =	vst v7;
	v2 =	vadd.f32 $1.000000000e+00, v60  }
0x164: {  	[tilespmem:$0xCF0] =	vst v8;
	v0 =	vmul.f32 $1.442695020e+00, v0  }
0x165: {  	[tilespmem:$0xD00] =	vst v9;
	(erf) = vrcp.f32 v2  }
0x166: {  	[tilespmem:$0xD10] =	vst v10;
	(erf) = vpow2.f32 v0  }
0x167: {  	[tilespmem:$0xD20] =	vst v11  }
0x168: {  	[tilespmem:$0xD30] =	vst v12  }
0x169: {  	[tilespmem:$0xD40] =	vst v13  }
0x16a: {  	[tilespmem:$0xD50] =	vst v14  }
0x16b: {  	[tilespmem:$0xD60] =	vst v15  }
0x16c: {  	[tilespmem:$0xD70] =	vst v16  }
0x16d: {  	[tilespmem:$0xD80] =	vst v17  }
0x16e: {  	[tilespmem:$0xD90] =	vst v18;
	v61 =	vpop (erf)  }
0x16f: {  	[tilespmem:$0xDA0] =	vst v19;
	v62 =	vpop (erf)  }
0x170: {  	[tilespmem:$0xDB0] =	vst v20;
	v2 =	vadd.f32 $1.000000000e+00, v62  }
0x171: {  	[tilespmem:$0xDC0] =	vst v63  }
0x172: {  	[tilespmem:$0xDD0] =	vst v34;
	(erf) = vrcp.f32 v2  }
0x173: {  	[tilespmem:$0xDE0] =	vst v37  }
0x174: {  	[tilespmem:$0xDF0] =	vst v40  }
0x175: {  	[tilespmem:$0xE00] =	vst v43  }
0x176: {  	[tilespmem:$0xE10] =	vst v46  }
0x177: {  	[tilespmem:$0xE20] =	vst v49  }
0x178: {  	[tilespmem:$0xE30] =	vst v52  }
0x179: {  	[tilespmem:$0xE40] =	vst v55  }
0x17a: {  	[tilespmem:$0xE50] =	vst v59  }
0x17b: {  	p0 =	sne.s32 s8, $0x1;
	[tilespmem:$0xE60] =	vst v61;
	v63 =	vpop (erf)  }
.Ltmp0:
0x17c: {  	[tilespmem:$0xE70] =	vst v63;
	(pc) =	sbr.rel @p0 .LBB2_1-.Ltmp0, $4  }
0x17d: {  	[hbm4b:s7+s2] =	stream.linear.scatter [tilespmem:s18], [sflag:$0x3], $0x200, $0x38;
	[tilespmem:$0xE80] =	vst v63  }
0x17e: {  	_ =	swait.ge [sflag:s9], $0x200  }
0x17f: {  	[sflag:s9] =	ssyncset.done $0x0  }
0x180: {  	s8 =	sadd.s32 $0xFFFFFFFF, s8;
	[sflag:s9] =	ssyncadd.s32 $0xFFFFFE00  }
0x181: {  	_ =	sfence.sel $0x180000  }
0x182: {  	[bflag:$0x0] =	sbarrier.arrive $0xFFFF  }
0x183: {  	p0 =	sne.s32 s1, $0x0;
	_ =	strace $0x90000047  }
0x184: {  	s0 =	sadd.s32 @!p0 $0x100000, s0;
	[bflag:$0x2] =	sbarrier.arrive $0xFFFF  }
0x185: {  	[sflag:s0] =	ssyncadd.tile.s32 @!p0 $0x1;
	_ =	shalt  }
.Lfunc_end2:
_tile_overlayer_lowered:
.L_overlay_start_2:
0x186: {  	(tag) =	ssettag $0x2  }
0x187: {  	s0 =	rddreg [dreg:$0x0];
	s2 =	stileid.u32  }
0x188: {  	s1 =	rddreg [dreg:$0x1];
	p0 =	sne.s32 s2, $0x0  }
0x189: {  	s3 =	rddreg [dreg:$0x2];
	[bflag:$0x3] =	sbarrier.arrive $0xFFFF;
	s2 =	simm.s32 @!p0 $0x1C03  }
0x18a: {  	[timem:s3], [sflag:s2] =	dma.local @!p0 [hbm:s0], s1  }
0x18b: {  	s0 =	simm.s32 @!p0 $0x3  }
0x18c: {  	_ =	swait.ge @!p0 [sflag:s0], s1  }
0x18d: {  	s1 =	ssub.s32 @!p0 $0x0, s1;
	[sflag:s0] =	ssyncset.done @!p0 $0x0  }
0x18e: {  	[sflag:s0] =	ssyncadd.s32 @!p0 s1  }
0x18f: {  	[bflag:$0x3] =	sbarrier.arrive $0xFFFF  }
0x190: {  	_ =	shalt  }

</sc_bundles>
